<compile_context>
chip_gen: v7x
topology: tpu7x:2x2x1
jax: 0.10.2.dev20260603
libtpu: 0.0.44.dev20260713+nightly
codegen_flags: <defaults>
</compile_context>

<pallas_src>
import jax
import jax.numpy as jnp
from jax import lax
from jax.experimental import pallas as pl
from jax.experimental.pallas import tpu as pltpu
from jax.experimental.pallas import tpu_sc as plsc

_EMB_DIM = 1024
_TABLE_ROWS = 8193
_NUM_WORKERS = 32
_OUT_ROWS = 8192
_ROWS_PER_WORKER = _OUT_ROWS // _NUM_WORKERS
_PIECE_SIZES = (56, 56, 56, 56, 32)
_PIECE_STARTS = (0, 56, 112, 168, 224)
_MAX_PIECE = 56
_N_PIECES = len(_PIECE_SIZES)
_NBUF = 2
_LANES = 16


def _sc_body(weights_hbm, out_hbm, idx, buf, sem_in, sem_out):
    wid = lax.axis_index("s") * 2 + lax.axis_index("c")
    base = wid * _ROWS_PER_WORKER

    lane = lax.iota(jnp.int32, _LANES)
    for g in range(_N_PIECES):
        for k in range(0, _PIECE_SIZES[g], _LANES):
            idx[g, pl.ds(k, _LANES)] = lane + (base + 1 + _PIECE_STARTS[g] + k)

    def start_in(g):
        return pltpu.async_copy(
            weights_hbm.at[idx.at[g, pl.ds(0, _PIECE_SIZES[g])]],
            buf.at[g % _NBUF, pl.ds(0, _PIECE_SIZES[g])],
            sem_in.at[g % _NBUF],
        )

    def start_out(g):
        return pltpu.async_copy(
            buf.at[g % _NBUF, pl.ds(0, _PIECE_SIZES[g])],
            out_hbm.at[pl.ds(base + _PIECE_STARTS[g], _PIECE_SIZES[g])],
            sem_out.at[g % _NBUF],
        )

    in_h = {g: start_in(g) for g in range(_NBUF)}
    out_h = {}
    for g in range(_N_PIECES):
        in_h[g].wait()
        out_h[g] = start_out(g)
        n = g + 1
        if n < _N_PIECES and n >= _NBUF:
            out_h[n - _NBUF].wait()
            in_h[n] = start_in(n)
    for g in range(_N_PIECES - _NBUF, _N_PIECES):
        out_h[g].wait()


def kernel(input, weights):
    del input
    mesh = plsc.VectorSubcoreMesh(core_axis_name="c", subcore_axis_name="s")
    f = pl.kernel(
        _sc_body,
        out_type=jax.ShapeDtypeStruct((_OUT_ROWS, _EMB_DIM), jnp.float32),
        mesh=mesh,
        scratch_types=[
            pltpu.VMEM((_N_PIECES, 64), jnp.int32),
            pltpu.VMEM((_NBUF, _MAX_PIECE, _EMB_DIM), jnp.float32),
            pltpu.SemaphoreType.DMA((_NBUF,)),
            pltpu.SemaphoreType.DMA((_NBUF,)),
        ],
    )
    return f(weights)

# --- scband reference (transcript-rebuilt; emitter-appended) ---
"""Pipeline reference for scband-relative-embedding-16226386444353 (READ-ONLY COPY).

The authoritative reference and input builder live on the scoring server;
editing this copy changes nothing except your own understanding.
"""

import jax, jax.numpy as jnp
import numpy as np
import math

EMBEDDING_DIM = 1024
PADDING_IDX = 0
INIT_SIZE = 8192  # weights table has INIT_SIZE + 1 rows, like fastNLP RelativeSinusoidalPositionalEmbedding


def get_embedding(num_embeddings, embedding_dim, padding_idx=None):
    # Faithful port of the torch sinusoidal relative-position table builder.
    half_dim = embedding_dim // 2
    emb_scale = math.log(10000) / (half_dim - 1)
    emb = jnp.exp(jnp.arange(half_dim, dtype=jnp.float32) * -emb_scale)
    # torch.arange(-num_embeddings//2, num_embeddings//2) with Python floor division
    start = (-num_embeddings) // 2
    end = num_embeddings // 2
    pos = jnp.arange(start, end, dtype=jnp.float32)  # length == num_embeddings
    emb = pos[:, None] * emb[None, :]
    emb = jnp.concatenate([jnp.sin(emb), jnp.cos(emb)], axis=1).reshape(num_embeddings, -1)
    if embedding_dim % 2 == 1:
        emb = jnp.concatenate([emb, jnp.zeros((num_embeddings, 1), dtype=jnp.float32)], axis=1)
    if padding_idx is not None:
        emb = emb.at[padding_idx, :].set(0.0)
    return emb


def setup_inputs(seed: int = 0) -> dict:
    key = jax.random.key(seed)
    k1, _ = jax.random.split(key)
    inp = jax.random.randint(k1, (4, 4096), 0, 100, dtype=jnp.int64)
    weights = get_embedding(INIT_SIZE + 1, EMBEDDING_DIM, PADDING_IDX)
    return {"input": inp, "weights": weights}


def reference(input, weights):
    # forward of RelativeEmbedding. With padding_idx=0, seq_len=4096 and
    # origin_shift = (INIT_SIZE+1)//2 + 1 = 4097, max_pos = 4096 <= origin_shift,
    # so the dynamic table-regrow branch is never taken (static shapes).
    bsz, seq_len = input.shape
    origin_shift = weights.shape[0] // 2 + 1
    positions = jnp.arange(-seq_len, seq_len, dtype=jnp.int32) + origin_shift
    embed = jnp.take(weights, positions, axis=0)
    return embed

if __name__ == "__main__":
    import jax
    _d = setup_inputs()
    print(jax.jit(kernel)(*tuple(_d.values())))

</pallas_src>

<mosaic_0001>
#map = affine_map<(d0, d1) -> (0, 0)>
module attributes {stable_mosaic.version = 14 : i64} {
  func.func @_sc_body(%arg0: i32, %arg1: i32, %arg2: memref<8193x1024xf32, #tpu.memory_space<hbm>>, %arg3: memref<8192x1024xf32, #tpu.memory_space<hbm>>, %arg4: memref<5x64xi32, #tpu.memory_space<vmem>>, %arg5: memref<2x56x1024xf32, #tpu.memory_space<vmem>>, %arg6: memref<2x!tpu.dma_semaphore, #tpu.memory_space<semaphore_mem>>, %arg7: memref<2x!tpu.dma_semaphore, #tpu.memory_space<semaphore_mem>>) attributes {dimension_semantics = [#tpu.dimension_semantics<core_parallel>, #tpu.dimension_semantics<subcore_parallel>], iteration_bounds = array<i64: 2, 16>, scalar_prefetch = 0 : i64, scratch_operands = 4 : i64, tpu.core_type = #tpu.core_type<sc_vector_subcore>, window_params = [{transform_indices = #map}, {transform_indices = #map}]} {
    %mul3A = arith.constant 2 : i32
    %mul3A_0 = arith.muli %arg1, %mul3A : i32
    %add3A = arith.addi %mul3A_0, %arg0 : i32
    %mul3A_1 = arith.constant 256 : i32
    %mul3A_2 = arith.muli %add3A, %mul3A_1 : i32
    %iota3A = tpu.iota {dimensions = array<i32: 0>} : vector<16xi32>
    %add3A_3 = arith.constant 1 : i32
    %add3A_4 = arith.addi %mul3A_2, %add3A_3 : i32
    %add3A_5 = arith.constant 0 : i32
    %add3A_6 = arith.addi %add3A_4, %add3A_5 : i32
    %add3A_7 = arith.constant 0 : i32
    %add3A_8 = arith.addi %add3A_6, %add3A_7 : i32
    %add3A_9 = vector.broadcast %add3A_8 : i32 to vector<16xi32>
    %add3A_10 = arith.addi %iota3A, %add3A_9 : vector<16xi32>
    %swap3A = arith.constant 0 : i32
    %swap3A_11 = arith.index_cast %swap3A : i32 to index
    %swap3A_12 = arith.constant 0 : index
    %swap3A_13 = tpu.vector_load %arg4[%swap3A_11, %swap3A_12] {strides = array<i32>} : memref<5x64xi32, #tpu.memory_space<vmem>>, vector<1x16xi32>,
    %swap3A_14 = vector.shape_cast %swap3A_13 : vector<1x16xi32> to vector<16xi32>
    %swap3A_15 = vector.shape_cast %add3A_10 : vector<16xi32> to vector<1x16xi32>
    tpu.vector_store %arg4[%swap3A_11, %swap3A_12], %swap3A_15 {strides = array<i32>} : memref<5x64xi32, #tpu.memory_space<vmem>>, vector<1x16xi32>,
    %add3A_16 = arith.constant 1 : i32
    %add3A_17 = arith.addi %mul3A_2, %add3A_16 : i32
    %add3A_18 = arith.constant 0 : i32
    %add3A_19 = arith.addi %add3A_17, %add3A_18 : i32
    %add3A_20 = arith.constant 16 : i32
    %add3A_21 = arith.addi %add3A_19, %add3A_20 : i32
    %add3A_22 = vector.broadcast %add3A_21 : i32 to vector<16xi32>
    %add3A_23 = arith.addi %iota3A, %add3A_22 : vector<16xi32>
    %swap3A_24 = arith.constant 0 : i32
    %swap3A_25 = arith.index_cast %swap3A_24 : i32 to index
    %swap3A_26 = arith.constant 16 : index
    %swap3A_27 = tpu.vector_load %arg4[%swap3A_25, %swap3A_26] {strides = array<i32>} : memref<5x64xi32, #tpu.memory_space<vmem>>, vector<1x16xi32>,
    %swap3A_28 = vector.shape_cast %swap3A_27 : vector<1x16xi32> to vector<16xi32>
    %swap3A_29 = vector.shape_cast %add3A_23 : vector<16xi32> to vector<1x16xi32>
    tpu.vector_store %arg4[%swap3A_25, %swap3A_26], %swap3A_29 {strides = array<i32>} : memref<5x64xi32, #tpu.memory_space<vmem>>, vector<1x16xi32>,
    %add3A_30 = arith.constant 1 : i32
    %add3A_31 = arith.addi %mul3A_2, %add3A_30 : i32
    %add3A_32 = arith.constant 0 : i32
    %add3A_33 = arith.addi %add3A_31, %add3A_32 : i32
    %add3A_34 = arith.constant 32 : i32
    %add3A_35 = arith.addi %add3A_33, %add3A_34 : i32
    %add3A_36 = vector.broadcast %add3A_35 : i32 to vector<16xi32>
    %add3A_37 = arith.addi %iota3A, %add3A_36 : vector<16xi32>
    %swap3A_38 = arith.constant 0 : i32
    %swap3A_39 = arith.index_cast %swap3A_38 : i32 to index
    %swap3A_40 = arith.constant 32 : index
    %swap3A_41 = tpu.vector_load %arg4[%swap3A_39, %swap3A_40] {strides = array<i32>} : memref<5x64xi32, #tpu.memory_space<vmem>>, vector<1x16xi32>,
    %swap3A_42 = vector.shape_cast %swap3A_41 : vector<1x16xi32> to vector<16xi32>
    %swap3A_43 = vector.shape_cast %add3A_37 : vector<16xi32> to vector<1x16xi32>
    tpu.vector_store %arg4[%swap3A_39, %swap3A_40], %swap3A_43 {strides = array<i32>} : memref<5x64xi32, #tpu.memory_space<vmem>>, vector<1x16xi32>,
    %add3A_44 = arith.constant 1 : i32
    %add3A_45 = arith.addi %mul3A_2, %add3A_44 : i32
    %add3A_46 = arith.constant 0 : i32
    %add3A_47 = arith.addi %add3A_45, %add3A_46 : i32
    %add3A_48 = arith.constant 48 : i32
    %add3A_49 = arith.addi %add3A_47, %add3A_48 : i32
    %add3A_50 = vector.broadcast %add3A_49 : i32 to vector<16xi32>
    %add3A_51 = arith.addi %iota3A, %add3A_50 : vector<16xi32>
    %swap3A_52 = arith.constant 0 : i32
    %swap3A_53 = arith.index_cast %swap3A_52 : i32 to index
    %swap3A_54 = arith.constant 48 : index
    %swap3A_55 = tpu.vector_load %arg4[%swap3A_53, %swap3A_54] {strides = array<i32>} : memref<5x64xi32, #tpu.memory_space<vmem>>, vector<1x16xi32>,
    %swap3A_56 = vector.shape_cast %swap3A_55 : vector<1x16xi32> to vector<16xi32>
    %swap3A_57 = vector.shape_cast %add3A_51 : vector<16xi32> to vector<1x16xi32>
    tpu.vector_store %arg4[%swap3A_53, %swap3A_54], %swap3A_57 {strides = array<i32>} : memref<5x64xi32, #tpu.memory_space<vmem>>, vector<1x16xi32>,
    %add3A_58 = arith.constant 1 : i32
    %add3A_59 = arith.addi %mul3A_2, %add3A_58 : i32
    %add3A_60 = arith.constant 56 : i32
    %add3A_61 = arith.addi %add3A_59, %add3A_60 : i32
    %add3A_62 = arith.constant 0 : i32
    %add3A_63 = arith.addi %add3A_61, %add3A_62 : i32
    %add3A_64 = vector.broadcast %add3A_63 : i32 to vector<16xi32>
    %add3A_65 = arith.addi %iota3A, %add3A_64 : vector<16xi32>
    %swap3A_66 = arith.constant 1 : i32
    %swap3A_67 = arith.index_cast %swap3A_66 : i32 to index
    %swap3A_68 = arith.constant 0 : index
    %swap3A_69 = tpu.vector_load %arg4[%swap3A_67, %swap3A_68] {strides = array<i32>} : memref<5x64xi32, #tpu.memory_space<vmem>>, vector<1x16xi32>,
    %swap3A_70 = vector.shape_cast %swap3A_69 : vector<1x16xi32> to vector<16xi32>
    %swap3A_71 = vector.shape_cast %add3A_65 : vector<16xi32> to vector<1x16xi32>
    tpu.vector_store %arg4[%swap3A_67, %swap3A_68], %swap3A_71 {strides = array<i32>} : memref<5x64xi32, #tpu.memory_space<vmem>>, vector<1x16xi32>,
    %add3A_72 = arith.constant 1 : i32
    %add3A_73 = arith.addi %mul3A_2, %add3A_72 : i32
    %add3A_74 = arith.constant 56 : i32
    %add3A_75 = arith.addi %add3A_73, %add3A_74 : i32
    %add3A_76 = arith.constant 16 : i32
    %add3A_77 = arith.addi %add3A_75, %add3A_76 : i32
    %add3A_78 = vector.broadcast %add3A_77 : i32 to vector<16xi32>
    %add3A_79 = arith.addi %iota3A, %add3A_78 : vector<16xi32>
    %swap3A_80 = arith.constant 1 : i32
    %swap3A_81 = arith.index_cast %swap3A_80 : i32 to index
    %swap3A_82 = arith.constant 16 : index
    %swap3A_83 = tpu.vector_load %arg4[%swap3A_81, %swap3A_82] {strides = array<i32>} : memref<5x64xi32, #tpu.memory_space<vmem>>, vector<1x16xi32>,
    %swap3A_84 = vector.shape_cast %swap3A_83 : vector<1x16xi32> to vector<16xi32>
    %swap3A_85 = vector.shape_cast %add3A_79 : vector<16xi32> to vector<1x16xi32>
    tpu.vector_store %arg4[%swap3A_81, %swap3A_82], %swap3A_85 {strides = array<i32>} : memref<5x64xi32, #tpu.memory_space<vmem>>, vector<1x16xi32>,
    %add3A_86 = arith.constant 1 : i32
    %add3A_87 = arith.addi %mul3A_2, %add3A_86 : i32
    %add3A_88 = arith.constant 56 : i32
    %add3A_89 = arith.addi %add3A_87, %add3A_88 : i32
    %add3A_90 = arith.constant 32 : i32
    %add3A_91 = arith.addi %add3A_89, %add3A_90 : i32
    %add3A_92 = vector.broadcast %add3A_91 : i32 to vector<16xi32>
    %add3A_93 = arith.addi %iota3A, %add3A_92 : vector<16xi32>
    %swap3A_94 = arith.constant 1 : i32
    %swap3A_95 = arith.index_cast %swap3A_94 : i32 to index
    %swap3A_96 = arith.constant 32 : index
    %swap3A_97 = tpu.vector_load %arg4[%swap3A_95, %swap3A_96] {strides = array<i32>} : memref<5x64xi32, #tpu.memory_space<vmem>>, vector<1x16xi32>,
    %swap3A_98 = vector.shape_cast %swap3A_97 : vector<1x16xi32> to vector<16xi32>
    %swap3A_99 = vector.shape_cast %add3A_93 : vector<16xi32> to vector<1x16xi32>
    tpu.vector_store %arg4[%swap3A_95, %swap3A_96], %swap3A_99 {strides = array<i32>} : memref<5x64xi32, #tpu.memory_space<vmem>>, vector<1x16xi32>,
    %add3A_100 = arith.constant 1 : i32
    %add3A_101 = arith.addi %mul3A_2, %add3A_100 : i32
    %add3A_102 = arith.constant 56 : i32
    %add3A_103 = arith.addi %add3A_101, %add3A_102 : i32
    %add3A_104 = arith.constant 48 : i32
    %add3A_105 = arith.addi %add3A_103, %add3A_104 : i32
    %add3A_106 = vector.broadcast %add3A_105 : i32 to vector<16xi32>
    %add3A_107 = arith.addi %iota3A, %add3A_106 : vector<16xi32>
    %swap3A_108 = arith.constant 1 : i32
    %swap3A_109 = arith.index_cast %swap3A_108 : i32 to index
    %swap3A_110 = arith.constant 48 : index
    %swap3A_111 = tpu.vector_load %arg4[%swap3A_109, %swap3A_110] {strides = array<i32>} : memref<5x64xi32, #tpu.memory_space<vmem>>, vector<1x16xi32>,
    %swap3A_112 = vector.shape_cast %swap3A_111 : vector<1x16xi32> to vector<16xi32>
    %swap3A_113 = vector.shape_cast %add3A_107 : vector<16xi32> to vector<1x16xi32>
    tpu.vector_store %arg4[%swap3A_109, %swap3A_110], %swap3A_113 {strides = array<i32>} : memref<5x64xi32, #tpu.memory_space<vmem>>, vector<1x16xi32>,
    %add3A_114 = arith.constant 1 : i32
    %add3A_115 = arith.addi %mul3A_2, %add3A_114 : i32
    %add3A_116 = arith.constant 112 : i32
    %add3A_117 = arith.addi %add3A_115, %add3A_116 : i32
    %add3A_118 = arith.constant 0 : i32
    %add3A_119 = arith.addi %add3A_117, %add3A_118 : i32
    %add3A_120 = vector.broadcast %add3A_119 : i32 to vector<16xi32>
    %add3A_121 = arith.addi %iota3A, %add3A_120 : vector<16xi32>
    %swap3A_122 = arith.constant 2 : i32
    %swap3A_123 = arith.index_cast %swap3A_122 : i32 to index
    %swap3A_124 = arith.constant 0 : index
    %swap3A_125 = tpu.vector_load %arg4[%swap3A_123, %swap3A_124] {strides = array<i32>} : memref<5x64xi32, #tpu.memory_space<vmem>>, vector<1x16xi32>,
    %swap3A_126 = vector.shape_cast %swap3A_125 : vector<1x16xi32> to vector<16xi32>
    %swap3A_127 = vector.shape_cast %add3A_121 : vector<16xi32> to vector<1x16xi32>
    tpu.vector_store %arg4[%swap3A_123, %swap3A_124], %swap3A_127 {strides = array<i32>} : memref<5x64xi32, #tpu.memory_space<vmem>>, vector<1x16xi32>,
    %add3A_128 = arith.constant 1 : i32
    %add3A_129 = arith.addi %mul3A_2, %add3A_128 : i32
    %add3A_130 = arith.constant 112 : i32
    %add3A_131 = arith.addi %add3A_129, %add3A_130 : i32
    %add3A_132 = arith.constant 16 : i32
    %add3A_133 = arith.addi %add3A_131, %add3A_132 : i32
    %add3A_134 = vector.broadcast %add3A_133 : i32 to vector<16xi32>
    %add3A_135 = arith.addi %iota3A, %add3A_134 : vector<16xi32>
    %swap3A_136 = arith.constant 2 : i32
    %swap3A_137 = arith.index_cast %swap3A_136 : i32 to index
    %swap3A_138 = arith.constant 16 : index
    %swap3A_139 = tpu.vector_load %arg4[%swap3A_137, %swap3A_138] {strides = array<i32>} : memref<5x64xi32, #tpu.memory_space<vmem>>, vector<1x16xi32>,
    %swap3A_140 = vector.shape_cast %swap3A_139 : vector<1x16xi32> to vector<16xi32>
    %swap3A_141 = vector.shape_cast %add3A_135 : vector<16xi32> to vector<1x16xi32>
    tpu.vector_store %arg4[%swap3A_137, %swap3A_138], %swap3A_141 {strides = array<i32>} : memref<5x64xi32, #tpu.memory_space<vmem>>, vector<1x16xi32>,
    %add3A_142 = arith.constant 1 : i32
    %add3A_143 = arith.addi %mul3A_2, %add3A_142 : i32
    %add3A_144 = arith.constant 112 : i32
    %add3A_145 = arith.addi %add3A_143, %add3A_144 : i32
    %add3A_146 = arith.constant 32 : i32
    %add3A_147 = arith.addi %add3A_145, %add3A_146 : i32
    %add3A_148 = vector.broadcast %add3A_147 : i32 to vector<16xi32>
    %add3A_149 = arith.addi %iota3A, %add3A_148 : vector<16xi32>
    %swap3A_150 = arith.constant 2 : i32
    %swap3A_151 = arith.index_cast %swap3A_150 : i32 to index
    %swap3A_152 = arith.constant 32 : index
    %swap3A_153 = tpu.vector_load %arg4[%swap3A_151, %swap3A_152] {strides = array<i32>} : memref<5x64xi32, #tpu.memory_space<vmem>>, vector<1x16xi32>,
    %swap3A_154 = vector.shape_cast %swap3A_153 : vector<1x16xi32> to vector<16xi32>
    %swap3A_155 = vector.shape_cast %add3A_149 : vector<16xi32> to vector<1x16xi32>
    tpu.vector_store %arg4[%swap3A_151, %swap3A_152], %swap3A_155 {strides = array<i32>} : memref<5x64xi32, #tpu.memory_space<vmem>>, vector<1x16xi32>,
    %add3A_156 = arith.constant 1 : i32
    %add3A_157 = arith.addi %mul3A_2, %add3A_156 : i32
    %add3A_158 = arith.constant 112 : i32
    %add3A_159 = arith.addi %add3A_157, %add3A_158 : i32
    %add3A_160 = arith.constant 48 : i32
    %add3A_161 = arith.addi %add3A_159, %add3A_160 : i32
    %add3A_162 = vector.broadcast %add3A_161 : i32 to vector<16xi32>
    %add3A_163 = arith.addi %iota3A, %add3A_162 : vector<16xi32>
    %swap3A_164 = arith.constant 2 : i32
    %swap3A_165 = arith.index_cast %swap3A_164 : i32 to index
    %swap3A_166 = arith.constant 48 : index
    %swap3A_167 = tpu.vector_load %arg4[%swap3A_165, %swap3A_166] {strides = array<i32>} : memref<5x64xi32, #tpu.memory_space<vmem>>, vector<1x16xi32>,
    %swap3A_168 = vector.shape_cast %swap3A_167 : vector<1x16xi32> to vector<16xi32>
    %swap3A_169 = vector.shape_cast %add3A_163 : vector<16xi32> to vector<1x16xi32>
    tpu.vector_store %arg4[%swap3A_165, %swap3A_166], %swap3A_169 {strides = array<i32>} : memref<5x64xi32, #tpu.memory_space<vmem>>, vector<1x16xi32>,
    %add3A_170 = arith.constant 1 : i32
    %add3A_171 = arith.addi %mul3A_2, %add3A_170 : i32
    %add3A_172 = arith.constant 168 : i32
    %add3A_173 = arith.addi %add3A_171, %add3A_172 : i32
    %add3A_174 = arith.constant 0 : i32
    %add3A_175 = arith.addi %add3A_173, %add3A_174 : i32
    %add3A_176 = vector.broadcast %add3A_175 : i32 to vector<16xi32>
    %add3A_177 = arith.addi %iota3A, %add3A_176 : vector<16xi32>
    %swap3A_178 = arith.constant 3 : i32
    %swap3A_179 = arith.index_cast %swap3A_178 : i32 to index
    %swap3A_180 = arith.constant 0 : index
    %swap3A_181 = tpu.vector_load %arg4[%swap3A_179, %swap3A_180] {strides = array<i32>} : memref<5x64xi32, #tpu.memory_space<vmem>>, vector<1x16xi32>,
    %swap3A_182 = vector.shape_cast %swap3A_181 : vector<1x16xi32> to vector<16xi32>
    %swap3A_183 = vector.shape_cast %add3A_177 : vector<16xi32> to vector<1x16xi32>
    tpu.vector_store %arg4[%swap3A_179, %swap3A_180], %swap3A_183 {strides = array<i32>} : memref<5x64xi32, #tpu.memory_space<vmem>>, vector<1x16xi32>,
    %add3A_184 = arith.constant 1 : i32
    %add3A_185 = arith.addi %mul3A_2, %add3A_184 : i32
    %add3A_186 = arith.constant 168 : i32
    %add3A_187 = arith.addi %add3A_185, %add3A_186 : i32
    %add3A_188 = arith.constant 16 : i32
    %add3A_189 = arith.addi %add3A_187, %add3A_188 : i32
    %add3A_190 = vector.broadcast %add3A_189 : i32 to vector<16xi32>
    %add3A_191 = arith.addi %iota3A, %add3A_190 : vector<16xi32>
    %swap3A_192 = arith.constant 3 : i32
    %swap3A_193 = arith.index_cast %swap3A_192 : i32 to index
    %swap3A_194 = arith.constant 16 : index
    %swap3A_195 = tpu.vector_load %arg4[%swap3A_193, %swap3A_194] {strides = array<i32>} : memref<5x64xi32, #tpu.memory_space<vmem>>, vector<1x16xi32>,
    %swap3A_196 = vector.shape_cast %swap3A_195 : vector<1x16xi32> to vector<16xi32>
    %swap3A_197 = vector.shape_cast %add3A_191 : vector<16xi32> to vector<1x16xi32>
    tpu.vector_store %arg4[%swap3A_193, %swap3A_194], %swap3A_197 {strides = array<i32>} : memref<5x64xi32, #tpu.memory_space<vmem>>, vector<1x16xi32>,
    %add3A_198 = arith.constant 1 : i32
    %add3A_199 = arith.addi %mul3A_2, %add3A_198 : i32
    %add3A_200 = arith.constant 168 : i32
    %add3A_201 = arith.addi %add3A_199, %add3A_200 : i32
    %add3A_202 = arith.constant 32 : i32
    %add3A_203 = arith.addi %add3A_201, %add3A_202 : i32
    %add3A_204 = vector.broadcast %add3A_203 : i32 to vector<16xi32>
    %add3A_205 = arith.addi %iota3A, %add3A_204 : vector<16xi32>
    %swap3A_206 = arith.constant 3 : i32
    %swap3A_207 = arith.index_cast %swap3A_206 : i32 to index
    %swap3A_208 = arith.constant 32 : index
    %swap3A_209 = tpu.vector_load %arg4[%swap3A_207, %swap3A_208] {strides = array<i32>} : memref<5x64xi32, #tpu.memory_space<vmem>>, vector<1x16xi32>,
    %swap3A_210 = vector.shape_cast %swap3A_209 : vector<1x16xi32> to vector<16xi32>
    %swap3A_211 = vector.shape_cast %add3A_205 : vector<16xi32> to vector<1x16xi32>
    tpu.vector_store %arg4[%swap3A_207, %swap3A_208], %swap3A_211 {strides = array<i32>} : memref<5x64xi32, #tpu.memory_space<vmem>>, vector<1x16xi32>,
    %add3A_212 = arith.constant 1 : i32
    %add3A_213 = arith.addi %mul3A_2, %add3A_212 : i32
    %add3A_214 = arith.constant 168 : i32
    %add3A_215 = arith.addi %add3A_213, %add3A_214 : i32
    %add3A_216 = arith.constant 48 : i32
    %add3A_217 = arith.addi %add3A_215, %add3A_216 : i32
    %add3A_218 = vector.broadcast %add3A_217 : i32 to vector<16xi32>
    %add3A_219 = arith.addi %iota3A, %add3A_218 : vector<16xi32>
    %swap3A_220 = arith.constant 3 : i32
    %swap3A_221 = arith.index_cast %swap3A_220 : i32 to index
    %swap3A_222 = arith.constant 48 : index
    %swap3A_223 = tpu.vector_load %arg4[%swap3A_221, %swap3A_222] {strides = array<i32>} : memref<5x64xi32, #tpu.memory_space<vmem>>, vector<1x16xi32>,
    %swap3A_224 = vector.shape_cast %swap3A_223 : vector<1x16xi32> to vector<16xi32>
    %swap3A_225 = vector.shape_cast %add3A_219 : vector<16xi32> to vector<1x16xi32>
    tpu.vector_store %arg4[%swap3A_221, %swap3A_222], %swap3A_225 {strides = array<i32>} : memref<5x64xi32, #tpu.memory_space<vmem>>, vector<1x16xi32>,
    %add3A_226 = arith.constant 1 : i32
    %add3A_227 = arith.addi %mul3A_2, %add3A_226 : i32
    %add3A_228 = arith.constant 224 : i32
    %add3A_229 = arith.addi %add3A_227, %add3A_228 : i32
    %add3A_230 = arith.constant 0 : i32
    %add3A_231 = arith.addi %add3A_229, %add3A_230 : i32
    %add3A_232 = vector.broadcast %add3A_231 : i32 to vector<16xi32>
    %add3A_233 = arith.addi %iota3A, %add3A_232 : vector<16xi32>
    %swap3A_234 = arith.constant 4 : i32
    %swap3A_235 = arith.index_cast %swap3A_234 : i32 to index
    %swap3A_236 = arith.constant 0 : index
    %swap3A_237 = tpu.vector_load %arg4[%swap3A_235, %swap3A_236] {strides = array<i32>} : memref<5x64xi32, #tpu.memory_space<vmem>>, vector<1x16xi32>,
    %swap3A_238 = vector.shape_cast %swap3A_237 : vector<1x16xi32> to vector<16xi32>
    %swap3A_239 = vector.shape_cast %add3A_233 : vector<16xi32> to vector<1x16xi32>
    tpu.vector_store %arg4[%swap3A_235, %swap3A_236], %swap3A_239 {strides = array<i32>} : memref<5x64xi32, #tpu.memory_space<vmem>>, vector<1x16xi32>,
    %add3A_240 = arith.constant 1 : i32
    %add3A_241 = arith.addi %mul3A_2, %add3A_240 : i32
    %add3A_242 = arith.constant 224 : i32
    %add3A_243 = arith.addi %add3A_241, %add3A_242 : i32
    %add3A_244 = arith.constant 16 : i32
    %add3A_245 = arith.addi %add3A_243, %add3A_244 : i32
    %add3A_246 = vector.broadcast %add3A_245 : i32 to vector<16xi32>
    %add3A_247 = arith.addi %iota3A, %add3A_246 : vector<16xi32>
    %swap3A_248 = arith.constant 4 : i32
    %swap3A_249 = arith.index_cast %swap3A_248 : i32 to index
    %swap3A_250 = arith.constant 16 : index
    %swap3A_251 = tpu.vector_load %arg4[%swap3A_249, %swap3A_250] {strides = array<i32>} : memref<5x64xi32, #tpu.memory_space<vmem>>, vector<1x16xi32>,
    %swap3A_252 = vector.shape_cast %swap3A_251 : vector<1x16xi32> to vector<16xi32>
    %swap3A_253 = vector.shape_cast %add3A_247 : vector<16xi32> to vector<1x16xi32>
    tpu.vector_store %arg4[%swap3A_249, %swap3A_250], %swap3A_253 {strides = array<i32>} : memref<5x64xi32, #tpu.memory_space<vmem>>, vector<1x16xi32>,
    %dma_start3A = arith.constant 0 : i32
    %dma_start3A_254 = arith.constant 0 : i32
    %dma_start3A_255 = arith.constant 0 : i32
    %dma_start3A_256 = arith.constant 0 : i32
    %dma_start3A_257 = arith.constant 0 : i32
    %dma_start3A_258 = tpu.memref_slice %arg5[%dma_start3A_254, %dma_start3A_256, %dma_start3A_257] : memref<2x56x1024xf32, #tpu.memory_space<vmem>> -> memref<1x56x1024xf32, #tpu.memory_space<vmem>>
    %dma_start3A_259 = tpu.memref_squeeze %dma_start3A_258 : memref<1x56x1024xf32, #tpu.memory_space<vmem>> -> memref<56x1024xf32, #tpu.memory_space<vmem>>
    %dma_start3A_260 = arith.constant 0 : i32
    %dma_start3A_261 = tpu.memref_slice %arg4[%dma_start3A, %dma_start3A_260] : memref<5x64xi32, #tpu.memory_space<vmem>> -> memref<1x56xi32, #tpu.memory_space<vmem>>
    %dma_start3A_262 = tpu.memref_squeeze %dma_start3A_261 : memref<1x56xi32, #tpu.memory_space<vmem>> -> memref<56xi32, #tpu.memory_space<vmem>>
    %dma_start3A_263 = arith.constant 0 : i32
    %dma_start3A_264 = arith.constant 0 : i32
    %dma_start3A_265 = tpu.memref_slice %arg2[%dma_start3A_263, %dma_start3A_264] : memref<8193x1024xf32, #tpu.memory_space<hbm>> -> memref<8193x1024xf32, #tpu.memory_space<hbm>>
    %dma_start3A_266 = tpu.memref_slice %arg6[%dma_start3A_255] : memref<2x!tpu.dma_semaphore, #tpu.memory_space<semaphore_mem>> -> memref<1x!tpu.dma_semaphore, #tpu.memory_space<semaphore_mem>>
    %dma_start3A_267 = tpu.memref_squeeze %dma_start3A_266 : memref<1x!tpu.dma_semaphore, #tpu.memory_space<semaphore_mem>> -> memref<!tpu.dma_semaphore, #tpu.memory_space<semaphore_mem>>
    tpu.enqueue_indirect_dma source(%dma_start3A_265 : memref<8193x1024xf32, #tpu.memory_space<hbm>>) target(%dma_start3A_259 : memref<56x1024xf32, #tpu.memory_space<vmem>>) offsets(%dma_start3A_262 : memref<56xi32, #tpu.memory_space<vmem>>) semaphore(%dma_start3A_267 : memref<!tpu.dma_semaphore, #tpu.memory_space<semaphore_mem>>)
    %dma_start3A_268 = arith.constant 1 : i32
    %dma_start3A_269 = arith.constant 1 : i32
    %dma_start3A_270 = arith.constant 1 : i32
    %dma_start3A_271 = arith.constant 0 : i32
    %dma_start3A_272 = arith.constant 0 : i32
    %dma_start3A_273 = tpu.memref_slice %arg5[%dma_start3A_269, %dma_start3A_271, %dma_start3A_272] : memref<2x56x1024xf32, #tpu.memory_space<vmem>> -> memref<1x56x1024xf32, #tpu.memory_space<vmem>>
    %dma_start3A_274 = tpu.memref_squeeze %dma_start3A_273 : memref<1x56x1024xf32, #tpu.memory_space<vmem>> -> memref<56x1024xf32, #tpu.memory_space<vmem>>
    %dma_start3A_275 = arith.constant 0 : i32
    %dma_start3A_276 = tpu.memref_slice %arg4[%dma_start3A_268, %dma_start3A_275] : memref<5x64xi32, #tpu.memory_space<vmem>> -> memref<1x56xi32, #tpu.memory_space<vmem>>
    %dma_start3A_277 = tpu.memref_squeeze %dma_start3A_276 : memref<1x56xi32, #tpu.memory_space<vmem>> -> memref<56xi32, #tpu.memory_space<vmem>>
    %dma_start3A_278 = arith.constant 0 : i32
    %dma_start3A_279 = arith.constant 0 : i32
    %dma_start3A_280 = tpu.memref_slice %arg2[%dma_start3A_278, %dma_start3A_279] : memref<8193x1024xf32, #tpu.memory_space<hbm>> -> memref<8193x1024xf32, #tpu.memory_space<hbm>>
    %dma_start3A_281 = tpu.memref_slice %arg6[%dma_start3A_270] : memref<2x!tpu.dma_semaphore, #tpu.memory_space<semaphore_mem>> -> memref<1x!tpu.dma_semaphore, #tpu.memory_space<semaphore_mem>>
    %dma_start3A_282 = tpu.memref_squeeze %dma_start3A_281 : memref<1x!tpu.dma_semaphore, #tpu.memory_space<semaphore_mem>> -> memref<!tpu.dma_semaphore, #tpu.memory_space<semaphore_mem>>
    tpu.enqueue_indirect_dma source(%dma_start3A_280 : memref<8193x1024xf32, #tpu.memory_space<hbm>>) target(%dma_start3A_274 : memref<56x1024xf32, #tpu.memory_space<vmem>>) offsets(%dma_start3A_277 : memref<56xi32, #tpu.memory_space<vmem>>) semaphore(%dma_start3A_282 : memref<!tpu.dma_semaphore, #tpu.memory_space<semaphore_mem>>)
    %dma_wait3A = arith.constant 0 : i32
    %dma_wait3A_283 = arith.constant 0 : i32
    %dma_wait3A_284 = arith.constant 0 : i32
    %dma_wait3A_285 = arith.constant 0 : i32
    %dma_wait3A_286 = arith.constant 0 : i32
    %dma_wait3A_287 = tpu.memref_slice %arg5[%dma_wait3A_283, %dma_wait3A_285, %dma_wait3A_286] : memref<2x56x1024xf32, #tpu.memory_space<vmem>> -> memref<1x56x1024xf32, #tpu.memory_space<vmem>>
    %dma_wait3A_288 = tpu.memref_squeeze %dma_wait3A_287 : memref<1x56x1024xf32, #tpu.memory_space<vmem>> -> memref<56x1024xf32, #tpu.memory_space<vmem>>
    %dma_wait3A_289 = arith.constant 0 : i32
    %dma_wait3A_290 = tpu.memref_slice %arg4[%dma_wait3A, %dma_wait3A_289] : memref<5x64xi32, #tpu.memory_space<vmem>> -> memref<1x56xi32, #tpu.memory_space<vmem>>
    %dma_wait3A_291 = tpu.memref_squeeze %dma_wait3A_290 : memref<1x56xi32, #tpu.memory_space<vmem>> -> memref<56xi32, #tpu.memory_space<vmem>>
    %dma_wait3A_292 = arith.constant 0 : i32
    %dma_wait3A_293 = arith.constant 0 : i32
    %dma_wait3A_294 = tpu.memref_slice %arg2[%dma_wait3A_292, %dma_wait3A_293] : memref<8193x1024xf32, #tpu.memory_space<hbm>> -> memref<8193x1024xf32, #tpu.memory_space<hbm>>
    %dma_wait3A_295 = tpu.memref_slice %arg6[%dma_wait3A_284] : memref<2x!tpu.dma_semaphore, #tpu.memory_space<semaphore_mem>> -> memref<1x!tpu.dma_semaphore, #tpu.memory_space<semaphore_mem>>
    %dma_wait3A_296 = tpu.memref_squeeze %dma_wait3A_295 : memref<1x!tpu.dma_semaphore, #tpu.memory_space<semaphore_mem>> -> memref<!tpu.dma_semaphore, #tpu.memory_space<semaphore_mem>>
    tpu.wait_indirect_dma semaphore(%dma_wait3A_296 : memref<!tpu.dma_semaphore, #tpu.memory_space<semaphore_mem>>) src(%dma_wait3A_294 : memref<8193x1024xf32, #tpu.memory_space<hbm>>) dst(%dma_wait3A_288 : memref<56x1024xf32, #tpu.memory_space<vmem>>)
    %add3A_297 = arith.constant 0 : i32
    %add3A_298 = arith.addi %mul3A_2, %add3A_297 : i32
    %dma_start3A_299 = arith.constant 0 : i32
    %dma_start3A_300 = arith.constant 0 : i32
    %dma_start3A_301 = arith.constant 0 : i32
    %dma_start3A_302 = arith.constant 0 : i32
    %dma_start3A_303 = tpu.memref_slice %arg5[%dma_start3A_299, %dma_start3A_301, %dma_start3A_302] : memref<2x56x1024xf32, #tpu.memory_space<vmem>> -> memref<1x56x1024xf32, #tpu.memory_space<vmem>>
    %dma_start3A_304 = tpu.memref_squeeze %dma_start3A_303 : memref<1x56x1024xf32, #tpu.memory_space<vmem>> -> memref<56x1024xf32, #tpu.memory_space<vmem>>
    %dma_start3A_305 = arith.constant 0 : i32
    %dma_start3A_306 = tpu.memref_slice %arg3[%add3A_298, %dma_start3A_305] : memref<8192x1024xf32, #tpu.memory_space<hbm>> -> memref<56x1024xf32, #tpu.memory_space<hbm>>
    %dma_start3A_307 = tpu.memref_slice %arg7[%dma_start3A_300] : memref<2x!tpu.dma_semaphore, #tpu.memory_space<semaphore_mem>> -> memref<1x!tpu.dma_semaphore, #tpu.memory_space<semaphore_mem>>
    %dma_start3A_308 = tpu.memref_squeeze %dma_start3A_307 : memref<1x!tpu.dma_semaphore, #tpu.memory_space<semaphore_mem>> -> memref<!tpu.dma_semaphore, #tpu.memory_space<semaphore_mem>>
    %dma_start3A_309 = arith.constant 0 : i32
    %dma_start3A_310 = tpu.memref_slice %arg3[%add3A_298, %dma_start3A_309] : memref<8192x1024xf32, #tpu.memory_space<hbm>> -> memref<56x1024xf32, #tpu.memory_space<hbm>>
    %dma_start3A_311 = arith.constant 0 : i32
    %dma_start3A_312 = arith.constant 0 : i32
    %dma_start3A_313 = tpu.memref_slice %arg5[%dma_start3A_299, %dma_start3A_311, %dma_start3A_312] : memref<2x56x1024xf32, #tpu.memory_space<vmem>> -> memref<1x56x1024xf32, #tpu.memory_space<vmem>>
    %dma_start3A_314 = tpu.memref_squeeze %dma_start3A_313 : memref<1x56x1024xf32, #tpu.memory_space<vmem>> -> memref<56x1024xf32, #tpu.memory_space<vmem>>
    tpu.enqueue_dma source(%dma_start3A_314 : memref<56x1024xf32, #tpu.memory_space<vmem>>) target(%dma_start3A_310 : memref<56x1024xf32, #tpu.memory_space<hbm>>) target_semaphore(%dma_start3A_308 : memref<!tpu.dma_semaphore, #tpu.memory_space<semaphore_mem>>)
    %dma_wait3A_315 = arith.constant 1 : i32
    %dma_wait3A_316 = arith.constant 1 : i32
    %dma_wait3A_317 = arith.constant 1 : i32
    %dma_wait3A_318 = arith.constant 0 : i32
    %dma_wait3A_319 = arith.constant 0 : i32
    %dma_wait3A_320 = tpu.memref_slice %arg5[%dma_wait3A_316, %dma_wait3A_318, %dma_wait3A_319] : memref<2x56x1024xf32, #tpu.memory_space<vmem>> -> memref<1x56x1024xf32, #tpu.memory_space<vmem>>
    %dma_wait3A_321 = tpu.memref_squeeze %dma_wait3A_320 : memref<1x56x1024xf32, #tpu.memory_space<vmem>> -> memref<56x1024xf32, #tpu.memory_space<vmem>>
    %dma_wait3A_322 = arith.constant 0 : i32
    %dma_wait3A_323 = tpu.memref_slice %arg4[%dma_wait3A_315, %dma_wait3A_322] : memref<5x64xi32, #tpu.memory_space<vmem>> -> memref<1x56xi32, #tpu.memory_space<vmem>>
    %dma_wait3A_324 = tpu.memref_squeeze %dma_wait3A_323 : memref<1x56xi32, #tpu.memory_space<vmem>> -> memref<56xi32, #tpu.memory_space<vmem>>
    %dma_wait3A_325 = arith.constant 0 : i32
    %dma_wait3A_326 = arith.constant 0 : i32
    %dma_wait3A_327 = tpu.memref_slice %arg2[%dma_wait3A_325, %dma_wait3A_326] : memref<8193x1024xf32, #tpu.memory_space<hbm>> -> memref<8193x1024xf32, #tpu.memory_space<hbm>>
    %dma_wait3A_328 = tpu.memref_slice %arg6[%dma_wait3A_317] : memref<2x!tpu.dma_semaphore, #tpu.memory_space<semaphore_mem>> -> memref<1x!tpu.dma_semaphore, #tpu.memory_space<semaphore_mem>>
    %dma_wait3A_329 = tpu.memref_squeeze %dma_wait3A_328 : memref<1x!tpu.dma_semaphore, #tpu.memory_space<semaphore_mem>> -> memref<!tpu.dma_semaphore, #tpu.memory_space<semaphore_mem>>
    tpu.wait_indirect_dma semaphore(%dma_wait3A_329 : memref<!tpu.dma_semaphore, #tpu.memory_space<semaphore_mem>>) src(%dma_wait3A_327 : memref<8193x1024xf32, #tpu.memory_space<hbm>>) dst(%dma_wait3A_321 : memref<56x1024xf32, #tpu.memory_space<vmem>>)
    %add3A_330 = arith.constant 56 : i32
    %add3A_331 = arith.addi %mul3A_2, %add3A_330 : i32
    %dma_start3A_332 = arith.constant 1 : i32
    %dma_start3A_333 = arith.constant 1 : i32
    %dma_start3A_334 = arith.constant 0 : i32
    %dma_start3A_335 = arith.constant 0 : i32
    %dma_start3A_336 = tpu.memref_slice %arg5[%dma_start3A_332, %dma_start3A_334, %dma_start3A_335] : memref<2x56x1024xf32, #tpu.memory_space<vmem>> -> memref<1x56x1024xf32, #tpu.memory_space<vmem>>
    %dma_start3A_337 = tpu.memref_squeeze %dma_start3A_336 : memref<1x56x1024xf32, #tpu.memory_space<vmem>> -> memref<56x1024xf32, #tpu.memory_space<vmem>>
    %dma_start3A_338 = arith.constant 0 : i32
    %dma_start3A_339 = tpu.memref_slice %arg3[%add3A_331, %dma_start3A_338] : memref<8192x1024xf32, #tpu.memory_space<hbm>> -> memref<56x1024xf32, #tpu.memory_space<hbm>>
    %dma_start3A_340 = tpu.memref_slice %arg7[%dma_start3A_333] : memref<2x!tpu.dma_semaphore, #tpu.memory_space<semaphore_mem>> -> memref<1x!tpu.dma_semaphore, #tpu.memory_space<semaphore_mem>>
    %dma_start3A_341 = tpu.memref_squeeze %dma_start3A_340 : memref<1x!tpu.dma_semaphore, #tpu.memory_space<semaphore_mem>> -> memref<!tpu.dma_semaphore, #tpu.memory_space<semaphore_mem>>
    %dma_start3A_342 = arith.constant 0 : i32
    %dma_start3A_343 = tpu.memref_slice %arg3[%add3A_331, %dma_start3A_342] : memref<8192x1024xf32, #tpu.memory_space<hbm>> -> memref<56x1024xf32, #tpu.memory_space<hbm>>
    %dma_start3A_344 = arith.constant 0 : i32
    %dma_start3A_345 = arith.constant 0 : i32
    %dma_start3A_346 = tpu.memref_slice %arg5[%dma_start3A_332, %dma_start3A_344, %dma_start3A_345] : memref<2x56x1024xf32, #tpu.memory_space<vmem>> -> memref<1x56x1024xf32, #tpu.memory_space<vmem>>
    %dma_start3A_347 = tpu.memref_squeeze %dma_start3A_346 : memref<1x56x1024xf32, #tpu.memory_space<vmem>> -> memref<56x1024xf32, #tpu.memory_space<vmem>>
    tpu.enqueue_dma source(%dma_start3A_347 : memref<56x1024xf32, #tpu.memory_space<vmem>>) target(%dma_start3A_343 : memref<56x1024xf32, #tpu.memory_space<hbm>>) target_semaphore(%dma_start3A_341 : memref<!tpu.dma_semaphore, #tpu.memory_space<semaphore_mem>>)
    %dma_wait3A_348 = arith.constant 0 : i32
    %dma_wait3A_349 = arith.constant 0 : i32
    %dma_wait3A_350 = arith.constant 0 : i32
    %dma_wait3A_351 = arith.constant 0 : i32
    %dma_wait3A_352 = tpu.memref_slice %arg5[%dma_wait3A_348, %dma_wait3A_350, %dma_wait3A_351] : memref<2x56x1024xf32, #tpu.memory_space<vmem>> -> memref<1x56x1024xf32, #tpu.memory_space<vmem>>
    %dma_wait3A_353 = tpu.memref_squeeze %dma_wait3A_352 : memref<1x56x1024xf32, #tpu.memory_space<vmem>> -> memref<56x1024xf32, #tpu.memory_space<vmem>>
    %dma_wait3A_354 = arith.constant 0 : i32
    %dma_wait3A_355 = tpu.memref_slice %arg3[%add3A_298, %dma_wait3A_354] : memref<8192x1024xf32, #tpu.memory_space<hbm>> -> memref<56x1024xf32, #tpu.memory_space<hbm>>
    %dma_wait3A_356 = tpu.memref_slice %arg7[%dma_wait3A_349] : memref<2x!tpu.dma_semaphore, #tpu.memory_space<semaphore_mem>> -> memref<1x!tpu.dma_semaphore, #tpu.memory_space<semaphore_mem>>
    %dma_wait3A_357 = tpu.memref_squeeze %dma_wait3A_356 : memref<1x!tpu.dma_semaphore, #tpu.memory_space<semaphore_mem>> -> memref<!tpu.dma_semaphore, #tpu.memory_space<semaphore_mem>>
    %dma_wait3A_358 = arith.constant 0 : i32
    %dma_wait3A_359 = tpu.memref_slice %arg3[%add3A_298, %dma_wait3A_358] : memref<8192x1024xf32, #tpu.memory_space<hbm>> -> memref<56x1024xf32, #tpu.memory_space<hbm>>
    %dma_wait3A_360 = arith.constant 0 : i32
    %dma_wait3A_361 = arith.constant 0 : i32
    %dma_wait3A_362 = tpu.memref_slice %arg5[%dma_wait3A_348, %dma_wait3A_360, %dma_wait3A_361] : memref<2x56x1024xf32, #tpu.memory_space<vmem>> -> memref<1x56x1024xf32, #tpu.memory_space<vmem>>
    %dma_wait3A_363 = tpu.memref_squeeze %dma_wait3A_362 : memref<1x56x1024xf32, #tpu.memory_space<vmem>> -> memref<56x1024xf32, #tpu.memory_space<vmem>>
    tpu.wait_dma2 semaphore(%dma_wait3A_357 : memref<!tpu.dma_semaphore, #tpu.memory_space<semaphore_mem>>) src(%dma_wait3A_363 : memref<56x1024xf32, #tpu.memory_space<vmem>>) dst(%dma_wait3A_359 : memref<56x1024xf32, #tpu.memory_space<hbm>>)
    %dma_start3A_364 = arith.constant 2 : i32
    %dma_start3A_365 = arith.constant 0 : i32
    %dma_start3A_366 = arith.constant 0 : i32
    %dma_start3A_367 = arith.constant 0 : i32
    %dma_start3A_368 = arith.constant 0 : i32
    %dma_start3A_369 = tpu.memref_slice %arg5[%dma_start3A_365, %dma_start3A_367, %dma_start3A_368] : memref<2x56x1024xf32, #tpu.memory_space<vmem>> -> memref<1x56x1024xf32, #tpu.memory_space<vmem>>
    %dma_start3A_370 = tpu.memref_squeeze %dma_start3A_369 : memref<1x56x1024xf32, #tpu.memory_space<vmem>> -> memref<56x1024xf32, #tpu.memory_space<vmem>>
    %dma_start3A_371 = arith.constant 0 : i32
    %dma_start3A_372 = tpu.memref_slice %arg4[%dma_start3A_364, %dma_start3A_371] : memref<5x64xi32, #tpu.memory_space<vmem>> -> memref<1x56xi32, #tpu.memory_space<vmem>>
    %dma_start3A_373 = tpu.memref_squeeze %dma_start3A_372 : memref<1x56xi32, #tpu.memory_space<vmem>> -> memref<56xi32, #tpu.memory_space<vmem>>
    %dma_start3A_374 = arith.constant 0 : i32
    %dma_start3A_375 = arith.constant 0 : i32
    %dma_start3A_376 = tpu.memref_slice %arg2[%dma_start3A_374, %dma_start3A_375] : memref<8193x1024xf32, #tpu.memory_space<hbm>> -> memref<8193x1024xf32, #tpu.memory_space<hbm>>
    %dma_start3A_377 = tpu.memref_slice %arg6[%dma_start3A_366] : memref<2x!tpu.dma_semaphore, #tpu.memory_space<semaphore_mem>> -> memref<1x!tpu.dma_semaphore, #tpu.memory_space<semaphore_mem>>
    %dma_start3A_378 = tpu.memref_squeeze %dma_start3A_377 : memref<1x!tpu.dma_semaphore, #tpu.memory_space<semaphore_mem>> -> memref<!tpu.dma_semaphore, #tpu.memory_space<semaphore_mem>>
    tpu.enqueue_indirect_dma source(%dma_start3A_376 : memref<8193x1024xf32, #tpu.memory_space<hbm>>) target(%dma_start3A_370 : memref<56x1024xf32, #tpu.memory_space<vmem>>) offsets(%dma_start3A_373 : memref<56xi32, #tpu.memory_space<vmem>>) semaphore(%dma_start3A_378 : memref<!tpu.dma_semaphore, #tpu.memory_space<semaphore_mem>>)
    %dma_wait3A_379 = arith.constant 2 : i32
    %dma_wait3A_380 = arith.constant 0 : i32
    %dma_wait3A_381 = arith.constant 0 : i32
    %dma_wait3A_382 = arith.constant 0 : i32
    %dma_wait3A_383 = arith.constant 0 : i32
    %dma_wait3A_384 = tpu.memref_slice %arg5[%dma_wait3A_380, %dma_wait3A_382, %dma_wait3A_383] : memref<2x56x1024xf32, #tpu.memory_space<vmem>> -> memref<1x56x1024xf32, #tpu.memory_space<vmem>>
    %dma_wait3A_385 = tpu.memref_squeeze %dma_wait3A_384 : memref<1x56x1024xf32, #tpu.memory_space<vmem>> -> memref<56x1024xf32, #tpu.memory_space<vmem>>
    %dma_wait3A_386 = arith.constant 0 : i32
    %dma_wait3A_387 = tpu.memref_slice %arg4[%dma_wait3A_379, %dma_wait3A_386] : memref<5x64xi32, #tpu.memory_space<vmem>> -> memref<1x56xi32, #tpu.memory_space<vmem>>
    %dma_wait3A_388 = tpu.memref_squeeze %dma_wait3A_387 : memref<1x56xi32, #tpu.memory_space<vmem>> -> memref<56xi32, #tpu.memory_space<vmem>>
    %dma_wait3A_389 = arith.constant 0 : i32
    %dma_wait3A_390 = arith.constant 0 : i32
    %dma_wait3A_391 = tpu.memref_slice %arg2[%dma_wait3A_389, %dma_wait3A_390] : memref<8193x1024xf32, #tpu.memory_space<hbm>> -> memref<8193x1024xf32, #tpu.memory_space<hbm>>
    %dma_wait3A_392 = tpu.memref_slice %arg6[%dma_wait3A_381] : memref<2x!tpu.dma_semaphore, #tpu.memory_space<semaphore_mem>> -> memref<1x!tpu.dma_semaphore, #tpu.memory_space<semaphore_mem>>
    %dma_wait3A_393 = tpu.memref_squeeze %dma_wait3A_392 : memref<1x!tpu.dma_semaphore, #tpu.memory_space<semaphore_mem>> -> memref<!tpu.dma_semaphore, #tpu.memory_space<semaphore_mem>>
    tpu.wait_indirect_dma semaphore(%dma_wait3A_393 : memref<!tpu.dma_semaphore, #tpu.memory_space<semaphore_mem>>) src(%dma_wait3A_391 : memref<8193x1024xf32, #tpu.memory_space<hbm>>) dst(%dma_wait3A_385 : memref<56x1024xf32, #tpu.memory_space<vmem>>)
    %add3A_394 = arith.constant 112 : i32
    %add3A_395 = arith.addi %mul3A_2, %add3A_394 : i32
    %dma_start3A_396 = arith.constant 0 : i32
    %dma_start3A_397 = arith.constant 0 : i32
    %dma_start3A_398 = arith.constant 0 : i32
    %dma_start3A_399 = arith.constant 0 : i32
    %dma_start3A_400 = tpu.memref_slice %arg5[%dma_start3A_396, %dma_start3A_398, %dma_start3A_399] : memref<2x56x1024xf32, #tpu.memory_space<vmem>> -> memref<1x56x1024xf32, #tpu.memory_space<vmem>>
    %dma_start3A_401 = tpu.memref_squeeze %dma_start3A_400 : memref<1x56x1024xf32, #tpu.memory_space<vmem>> -> memref<56x1024xf32, #tpu.memory_space<vmem>>
    %dma_start3A_402 = arith.constant 0 : i32
    %dma_start3A_403 = tpu.memref_slice %arg3[%add3A_395, %dma_start3A_402] : memref<8192x1024xf32, #tpu.memory_space<hbm>> -> memref<56x1024xf32, #tpu.memory_space<hbm>>
    %dma_start3A_404 = tpu.memref_slice %arg7[%dma_start3A_397] : memref<2x!tpu.dma_semaphore, #tpu.memory_space<semaphore_mem>> -> memref<1x!tpu.dma_semaphore, #tpu.memory_space<semaphore_mem>>
    %dma_start3A_405 = tpu.memref_squeeze %dma_start3A_404 : memref<1x!tpu.dma_semaphore, #tpu.memory_space<semaphore_mem>> -> memref<!tpu.dma_semaphore, #tpu.memory_space<semaphore_mem>>
    %dma_start3A_406 = arith.constant 0 : i32
    %dma_start3A_407 = tpu.memref_slice %arg3[%add3A_395, %dma_start3A_406] : memref<8192x1024xf32, #tpu.memory_space<hbm>> -> memref<56x1024xf32, #tpu.memory_space<hbm>>
    %dma_start3A_408 = arith.constant 0 : i32
    %dma_start3A_409 = arith.constant 0 : i32
    %dma_start3A_410 = tpu.memref_slice %arg5[%dma_start3A_396, %dma_start3A_408, %dma_start3A_409] : memref<2x56x1024xf32, #tpu.memory_space<vmem>> -> memref<1x56x1024xf32, #tpu.memory_space<vmem>>
    %dma_start3A_411 = tpu.memref_squeeze %dma_start3A_410 : memref<1x56x1024xf32, #tpu.memory_space<vmem>> -> memref<56x1024xf32, #tpu.memory_space<vmem>>
    tpu.enqueue_dma source(%dma_start3A_411 : memref<56x1024xf32, #tpu.memory_space<vmem>>) target(%dma_start3A_407 : memref<56x1024xf32, #tpu.memory_space<hbm>>) target_semaphore(%dma_start3A_405 : memref<!tpu.dma_semaphore, #tpu.memory_space<semaphore_mem>>)
    %dma_wait3A_412 = arith.constant 1 : i32
    %dma_wait3A_413 = arith.constant 1 : i32
    %dma_wait3A_414 = arith.constant 0 : i32
    %dma_wait3A_415 = arith.constant 0 : i32
    %dma_wait3A_416 = tpu.memref_slice %arg5[%dma_wait3A_412, %dma_wait3A_414, %dma_wait3A_415] : memref<2x56x1024xf32, #tpu.memory_space<vmem>> -> memref<1x56x1024xf32, #tpu.memory_space<vmem>>
    %dma_wait3A_417 = tpu.memref_squeeze %dma_wait3A_416 : memref<1x56x1024xf32, #tpu.memory_space<vmem>> -> memref<56x1024xf32, #tpu.memory_space<vmem>>
    %dma_wait3A_418 = arith.constant 0 : i32
    %dma_wait3A_419 = tpu.memref_slice %arg3[%add3A_331, %dma_wait3A_418] : memref<8192x1024xf32, #tpu.memory_space<hbm>> -> memref<56x1024xf32, #tpu.memory_space<hbm>>
    %dma_wait3A_420 = tpu.memref_slice %arg7[%dma_wait3A_413] : memref<2x!tpu.dma_semaphore, #tpu.memory_space<semaphore_mem>> -> memref<1x!tpu.dma_semaphore, #tpu.memory_space<semaphore_mem>>
    %dma_wait3A_421 = tpu.memref_squeeze %dma_wait3A_420 : memref<1x!tpu.dma_semaphore, #tpu.memory_space<semaphore_mem>> -> memref<!tpu.dma_semaphore, #tpu.memory_space<semaphore_mem>>
    %dma_wait3A_422 = arith.constant 0 : i32
    %dma_wait3A_423 = tpu.memref_slice %arg3[%add3A_331, %dma_wait3A_422] : memref<8192x1024xf32, #tpu.memory_space<hbm>> -> memref<56x1024xf32, #tpu.memory_space<hbm>>
    %dma_wait3A_424 = arith.constant 0 : i32
    %dma_wait3A_425 = arith.constant 0 : i32
    %dma_wait3A_426 = tpu.memref_slice %arg5[%dma_wait3A_412, %dma_wait3A_424, %dma_wait3A_425] : memref<2x56x1024xf32, #tpu.memory_space<vmem>> -> memref<1x56x1024xf32, #tpu.memory_space<vmem>>
    %dma_wait3A_427 = tpu.memref_squeeze %dma_wait3A_426 : memref<1x56x1024xf32, #tpu.memory_space<vmem>> -> memref<56x1024xf32, #tpu.memory_space<vmem>>
    tpu.wait_dma2 semaphore(%dma_wait3A_421 : memref<!tpu.dma_semaphore, #tpu.memory_space<semaphore_mem>>) src(%dma_wait3A_427 : memref<56x1024xf32, #tpu.memory_space<vmem>>) dst(%dma_wait3A_423 : memref<56x1024xf32, #tpu.memory_space<hbm>>)
    %dma_start3A_428 = arith.constant 3 : i32
    %dma_start3A_429 = arith.constant 1 : i32
    %dma_start3A_430 = arith.constant 1 : i32
    %dma_start3A_431 = arith.constant 0 : i32
    %dma_start3A_432 = arith.constant 0 : i32
    %dma_start3A_433 = tpu.memref_slice %arg5[%dma_start3A_429, %dma_start3A_431, %dma_start3A_432] : memref<2x56x1024xf32, #tpu.memory_space<vmem>> -> memref<1x56x1024xf32, #tpu.memory_space<vmem>>
    %dma_start3A_434 = tpu.memref_squeeze %dma_start3A_433 : memref<1x56x1024xf32, #tpu.memory_space<vmem>> -> memref<56x1024xf32, #tpu.memory_space<vmem>>
    %dma_start3A_435 = arith.constant 0 : i32
    %dma_start3A_436 = tpu.memref_slice %arg4[%dma_start3A_428, %dma_start3A_435] : memref<5x64xi32, #tpu.memory_space<vmem>> -> memref<1x56xi32, #tpu.memory_space<vmem>>
    %dma_start3A_437 = tpu.memref_squeeze %dma_start3A_436 : memref<1x56xi32, #tpu.memory_space<vmem>> -> memref<56xi32, #tpu.memory_space<vmem>>
    %dma_start3A_438 = arith.constant 0 : i32
    %dma_start3A_439 = arith.constant 0 : i32
    %dma_start3A_440 = tpu.memref_slice %arg2[%dma_start3A_438, %dma_start3A_439] : memref<8193x1024xf32, #tpu.memory_space<hbm>> -> memref<8193x1024xf32, #tpu.memory_space<hbm>>
    %dma_start3A_441 = tpu.memref_slice %arg6[%dma_start3A_430] : memref<2x!tpu.dma_semaphore, #tpu.memory_space<semaphore_mem>> -> memref<1x!tpu.dma_semaphore, #tpu.memory_space<semaphore_mem>>
    %dma_start3A_442 = tpu.memref_squeeze %dma_start3A_441 : memref<1x!tpu.dma_semaphore, #tpu.memory_space<semaphore_mem>> -> memref<!tpu.dma_semaphore, #tpu.memory_space<semaphore_mem>>
    tpu.enqueue_indirect_dma source(%dma_start3A_440 : memref<8193x1024xf32, #tpu.memory_space<hbm>>) target(%dma_start3A_434 : memref<56x1024xf32, #tpu.memory_space<vmem>>) offsets(%dma_start3A_437 : memref<56xi32, #tpu.memory_space<vmem>>) semaphore(%dma_start3A_442 : memref<!tpu.dma_semaphore, #tpu.memory_space<semaphore_mem>>)
    %dma_wait3A_443 = arith.constant 3 : i32
    %dma_wait3A_444 = arith.constant 1 : i32
    %dma_wait3A_445 = arith.constant 1 : i32
    %dma_wait3A_446 = arith.constant 0 : i32
    %dma_wait3A_447 = arith.constant 0 : i32
    %dma_wait3A_448 = tpu.memref_slice %arg5[%dma_wait3A_444, %dma_wait3A_446, %dma_wait3A_447] : memref<2x56x1024xf32, #tpu.memory_space<vmem>> -> memref<1x56x1024xf32, #tpu.memory_space<vmem>>
    %dma_wait3A_449 = tpu.memref_squeeze %dma_wait3A_448 : memref<1x56x1024xf32, #tpu.memory_space<vmem>> -> memref<56x1024xf32, #tpu.memory_space<vmem>>
    %dma_wait3A_450 = arith.constant 0 : i32
    %dma_wait3A_451 = tpu.memref_slice %arg4[%dma_wait3A_443, %dma_wait3A_450] : memref<5x64xi32, #tpu.memory_space<vmem>> -> memref<1x56xi32, #tpu.memory_space<vmem>>
    %dma_wait3A_452 = tpu.memref_squeeze %dma_wait3A_451 : memref<1x56xi32, #tpu.memory_space<vmem>> -> memref<56xi32, #tpu.memory_space<vmem>>
    %dma_wait3A_453 = arith.constant 0 : i32
    %dma_wait3A_454 = arith.constant 0 : i32
    %dma_wait3A_455 = tpu.memref_slice %arg2[%dma_wait3A_453, %dma_wait3A_454] : memref<8193x1024xf32, #tpu.memory_space<hbm>> -> memref<8193x1024xf32, #tpu.memory_space<hbm>>
    %dma_wait3A_456 = tpu.memref_slice %arg6[%dma_wait3A_445] : memref<2x!tpu.dma_semaphore, #tpu.memory_space<semaphore_mem>> -> memref<1x!tpu.dma_semaphore, #tpu.memory_space<semaphore_mem>>
    %dma_wait3A_457 = tpu.memref_squeeze %dma_wait3A_456 : memref<1x!tpu.dma_semaphore, #tpu.memory_space<semaphore_mem>> -> memref<!tpu.dma_semaphore, #tpu.memory_space<semaphore_mem>>
    tpu.wait_indirect_dma semaphore(%dma_wait3A_457 : memref<!tpu.dma_semaphore, #tpu.memory_space<semaphore_mem>>) src(%dma_wait3A_455 : memref<8193x1024xf32, #tpu.memory_space<hbm>>) dst(%dma_wait3A_449 : memref<56x1024xf32, #tpu.memory_space<vmem>>)
    %add3A_458 = arith.constant 168 : i32
    %add3A_459 = arith.addi %mul3A_2, %add3A_458 : i32
    %dma_start3A_460 = arith.constant 1 : i32
    %dma_start3A_461 = arith.constant 1 : i32
    %dma_start3A_462 = arith.constant 0 : i32
    %dma_start3A_463 = arith.constant 0 : i32
    %dma_start3A_464 = tpu.memref_slice %arg5[%dma_start3A_460, %dma_start3A_462, %dma_start3A_463] : memref<2x56x1024xf32, #tpu.memory_space<vmem>> -> memref<1x56x1024xf32, #tpu.memory_space<vmem>>
    %dma_start3A_465 = tpu.memref_squeeze %dma_start3A_464 : memref<1x56x1024xf32, #tpu.memory_space<vmem>> -> memref<56x1024xf32, #tpu.memory_space<vmem>>
    %dma_start3A_466 = arith.constant 0 : i32
    %dma_start3A_467 = tpu.memref_slice %arg3[%add3A_459, %dma_start3A_466] : memref<8192x1024xf32, #tpu.memory_space<hbm>> -> memref<56x1024xf32, #tpu.memory_space<hbm>>
    %dma_start3A_468 = tpu.memref_slice %arg7[%dma_start3A_461] : memref<2x!tpu.dma_semaphore, #tpu.memory_space<semaphore_mem>> -> memref<1x!tpu.dma_semaphore, #tpu.memory_space<semaphore_mem>>
    %dma_start3A_469 = tpu.memref_squeeze %dma_start3A_468 : memref<1x!tpu.dma_semaphore, #tpu.memory_space<semaphore_mem>> -> memref<!tpu.dma_semaphore, #tpu.memory_space<semaphore_mem>>
    %dma_start3A_470 = arith.constant 0 : i32
    %dma_start3A_471 = tpu.memref_slice %arg3[%add3A_459, %dma_start3A_470] : memref<8192x1024xf32, #tpu.memory_space<hbm>> -> memref<56x1024xf32, #tpu.memory_space<hbm>>
    %dma_start3A_472 = arith.constant 0 : i32
    %dma_start3A_473 = arith.constant 0 : i32
    %dma_start3A_474 = tpu.memref_slice %arg5[%dma_start3A_460, %dma_start3A_472, %dma_start3A_473] : memref<2x56x1024xf32, #tpu.memory_space<vmem>> -> memref<1x56x1024xf32, #tpu.memory_space<vmem>>
    %dma_start3A_475 = tpu.memref_squeeze %dma_start3A_474 : memref<1x56x1024xf32, #tpu.memory_space<vmem>> -> memref<56x1024xf32, #tpu.memory_space<vmem>>
    tpu.enqueue_dma source(%dma_start3A_475 : memref<56x1024xf32, #tpu.memory_space<vmem>>) target(%dma_start3A_471 : memref<56x1024xf32, #tpu.memory_space<hbm>>) target_semaphore(%dma_start3A_469 : memref<!tpu.dma_semaphore, #tpu.memory_space<semaphore_mem>>)
    %dma_wait3A_476 = arith.constant 0 : i32
    %dma_wait3A_477 = arith.constant 0 : i32
    %dma_wait3A_478 = arith.constant 0 : i32
    %dma_wait3A_479 = arith.constant 0 : i32
    %dma_wait3A_480 = tpu.memref_slice %arg5[%dma_wait3A_476, %dma_wait3A_478, %dma_wait3A_479] : memref<2x56x1024xf32, #tpu.memory_space<vmem>> -> memref<1x56x1024xf32, #tpu.memory_space<vmem>>
    %dma_wait3A_481 = tpu.memref_squeeze %dma_wait3A_480 : memref<1x56x1024xf32, #tpu.memory_space<vmem>> -> memref<56x1024xf32, #tpu.memory_space<vmem>>
    %dma_wait3A_482 = arith.constant 0 : i32
    %dma_wait3A_483 = tpu.memref_slice %arg3[%add3A_395, %dma_wait3A_482] : memref<8192x1024xf32, #tpu.memory_space<hbm>> -> memref<56x1024xf32, #tpu.memory_space<hbm>>
    %dma_wait3A_484 = tpu.memref_slice %arg7[%dma_wait3A_477] : memref<2x!tpu.dma_semaphore, #tpu.memory_space<semaphore_mem>> -> memref<1x!tpu.dma_semaphore, #tpu.memory_space<semaphore_mem>>
    %dma_wait3A_485 = tpu.memref_squeeze %dma_wait3A_484 : memref<1x!tpu.dma_semaphore, #tpu.memory_space<semaphore_mem>> -> memref<!tpu.dma_semaphore, #tpu.memory_space<semaphore_mem>>
    %dma_wait3A_486 = arith.constant 0 : i32
    %dma_wait3A_487 = tpu.memref_slice %arg3[%add3A_395, %dma_wait3A_486] : memref<8192x1024xf32, #tpu.memory_space<hbm>> -> memref<56x1024xf32, #tpu.memory_space<hbm>>
    %dma_wait3A_488 = arith.constant 0 : i32
    %dma_wait3A_489 = arith.constant 0 : i32
    %dma_wait3A_490 = tpu.memref_slice %arg5[%dma_wait3A_476, %dma_wait3A_488, %dma_wait3A_489] : memref<2x56x1024xf32, #tpu.memory_space<vmem>> -> memref<1x56x1024xf32, #tpu.memory_space<vmem>>
    %dma_wait3A_491 = tpu.memref_squeeze %dma_wait3A_490 : memref<1x56x1024xf32, #tpu.memory_space<vmem>> -> memref<56x1024xf32, #tpu.memory_space<vmem>>
    tpu.wait_dma2 semaphore(%dma_wait3A_485 : memref<!tpu.dma_semaphore, #tpu.memory_space<semaphore_mem>>) src(%dma_wait3A_491 : memref<56x1024xf32, #tpu.memory_space<vmem>>) dst(%dma_wait3A_487 : memref<56x1024xf32, #tpu.memory_space<hbm>>)
    %dma_start3A_492 = arith.constant 4 : i32
    %dma_start3A_493 = arith.constant 0 : i32
    %dma_start3A_494 = arith.constant 0 : i32
    %dma_start3A_495 = arith.constant 0 : i32
    %dma_start3A_496 = arith.constant 0 : i32
    %dma_start3A_497 = tpu.memref_slice %arg5[%dma_start3A_493, %dma_start3A_495, %dma_start3A_496] : memref<2x56x1024xf32, #tpu.memory_space<vmem>> -> memref<1x32x1024xf32, #tpu.memory_space<vmem>>
    %dma_start3A_498 = tpu.memref_squeeze %dma_start3A_497 : memref<1x32x1024xf32, #tpu.memory_space<vmem>> -> memref<32x1024xf32, #tpu.memory_space<vmem>>
    %dma_start3A_499 = arith.constant 0 : i32
    %dma_start3A_500 = tpu.memref_slice %arg4[%dma_start3A_492, %dma_start3A_499] : memref<5x64xi32, #tpu.memory_space<vmem>> -> memref<1x32xi32, #tpu.memory_space<vmem>>
    %dma_start3A_501 = tpu.memref_squeeze %dma_start3A_500 : memref<1x32xi32, #tpu.memory_space<vmem>> -> memref<32xi32, #tpu.memory_space<vmem>>
    %dma_start3A_502 = arith.constant 0 : i32
    %dma_start3A_503 = arith.constant 0 : i32
    %dma_start3A_504 = tpu.memref_slice %arg2[%dma_start3A_502, %dma_start3A_503] : memref<8193x1024xf32, #tpu.memory_space<hbm>> -> memref<8193x1024xf32, #tpu.memory_space<hbm>>
    %dma_start3A_505 = tpu.memref_slice %arg6[%dma_start3A_494] : memref<2x!tpu.dma_semaphore, #tpu.memory_space<semaphore_mem>> -> memref<1x!tpu.dma_semaphore, #tpu.memory_space<semaphore_mem>>
    %dma_start3A_506 = tpu.memref_squeeze %dma_start3A_505 : memref<1x!tpu.dma_semaphore, #tpu.memory_space<semaphore_mem>> -> memref<!tpu.dma_semaphore, #tpu.memory_space<semaphore_mem>>
    tpu.enqueue_indirect_dma source(%dma_start3A_504 : memref<8193x1024xf32, #tpu.memory_space<hbm>>) target(%dma_start3A_498 : memref<32x1024xf32, #tpu.memory_space<vmem>>) offsets(%dma_start3A_501 : memref<32xi32, #tpu.memory_space<vmem>>) semaphore(%dma_start3A_506 : memref<!tpu.dma_semaphore, #tpu.memory_space<semaphore_mem>>)
    %dma_wait3A_507 = arith.constant 4 : i32
    %dma_wait3A_508 = arith.constant 0 : i32
    %dma_wait3A_509 = arith.constant 0 : i32
    %dma_wait3A_510 = arith.constant 0 : i32
    %dma_wait3A_511 = arith.constant 0 : i32
    %dma_wait3A_512 = tpu.memref_slice %arg5[%dma_wait3A_508, %dma_wait3A_510, %dma_wait3A_511] : memref<2x56x1024xf32, #tpu.memory_space<vmem>> -> memref<1x32x1024xf32, #tpu.memory_space<vmem>>
    %dma_wait3A_513 = tpu.memref_squeeze %dma_wait3A_512 : memref<1x32x1024xf32, #tpu.memory_space<vmem>> -> memref<32x1024xf32, #tpu.memory_space<vmem>>
    %dma_wait3A_514 = arith.constant 0 : i32
    %dma_wait3A_515 = tpu.memref_slice %arg4[%dma_wait3A_507, %dma_wait3A_514] : memref<5x64xi32, #tpu.memory_space<vmem>> -> memref<1x32xi32, #tpu.memory_space<vmem>>
    %dma_wait3A_516 = tpu.memref_squeeze %dma_wait3A_515 : memref<1x32xi32, #tpu.memory_space<vmem>> -> memref<32xi32, #tpu.memory_space<vmem>>
    %dma_wait3A_517 = arith.constant 0 : i32
    %dma_wait3A_518 = arith.constant 0 : i32
    %dma_wait3A_519 = tpu.memref_slice %arg2[%dma_wait3A_517, %dma_wait3A_518] : memref<8193x1024xf32, #tpu.memory_space<hbm>> -> memref<8193x1024xf32, #tpu.memory_space<hbm>>
    %dma_wait3A_520 = tpu.memref_slice %arg6[%dma_wait3A_509] : memref<2x!tpu.dma_semaphore, #tpu.memory_space<semaphore_mem>> -> memref<1x!tpu.dma_semaphore, #tpu.memory_space<semaphore_mem>>
    %dma_wait3A_521 = tpu.memref_squeeze %dma_wait3A_520 : memref<1x!tpu.dma_semaphore, #tpu.memory_space<semaphore_mem>> -> memref<!tpu.dma_semaphore, #tpu.memory_space<semaphore_mem>>
    tpu.wait_indirect_dma semaphore(%dma_wait3A_521 : memref<!tpu.dma_semaphore, #tpu.memory_space<semaphore_mem>>) src(%dma_wait3A_519 : memref<8193x1024xf32, #tpu.memory_space<hbm>>) dst(%dma_wait3A_513 : memref<32x1024xf32, #tpu.memory_space<vmem>>)
    %add3A_522 = arith.constant 224 : i32
    %add3A_523 = arith.addi %mul3A_2, %add3A_522 : i32
    %dma_start3A_524 = arith.constant 0 : i32
    %dma_start3A_525 = arith.constant 0 : i32
    %dma_start3A_526 = arith.constant 0 : i32
    %dma_start3A_527 = arith.constant 0 : i32
    %dma_start3A_528 = tpu.memref_slice %arg5[%dma_start3A_524, %dma_start3A_526, %dma_start3A_527] : memref<2x56x1024xf32, #tpu.memory_space<vmem>> -> memref<1x32x1024xf32, #tpu.memory_space<vmem>>
    %dma_start3A_529 = tpu.memref_squeeze %dma_start3A_528 : memref<1x32x1024xf32, #tpu.memory_space<vmem>> -> memref<32x1024xf32, #tpu.memory_space<vmem>>
    %dma_start3A_530 = arith.constant 0 : i32
    %dma_start3A_531 = tpu.memref_slice %arg3[%add3A_523, %dma_start3A_530] : memref<8192x1024xf32, #tpu.memory_space<hbm>> -> memref<32x1024xf32, #tpu.memory_space<hbm>>
    %dma_start3A_532 = tpu.memref_slice %arg7[%dma_start3A_525] : memref<2x!tpu.dma_semaphore, #tpu.memory_space<semaphore_mem>> -> memref<1x!tpu.dma_semaphore, #tpu.memory_space<semaphore_mem>>
    %dma_start3A_533 = tpu.memref_squeeze %dma_start3A_532 : memref<1x!tpu.dma_semaphore, #tpu.memory_space<semaphore_mem>> -> memref<!tpu.dma_semaphore, #tpu.memory_space<semaphore_mem>>
    %dma_start3A_534 = arith.constant 0 : i32
    %dma_start3A_535 = tpu.memref_slice %arg3[%add3A_523, %dma_start3A_534] : memref<8192x1024xf32, #tpu.memory_space<hbm>> -> memref<32x1024xf32, #tpu.memory_space<hbm>>
    %dma_start3A_536 = arith.constant 0 : i32
    %dma_start3A_537 = arith.constant 0 : i32
    %dma_start3A_538 = tpu.memref_slice %arg5[%dma_start3A_524, %dma_start3A_536, %dma_start3A_537] : memref<2x56x1024xf32, #tpu.memory_space<vmem>> -> memref<1x32x1024xf32, #tpu.memory_space<vmem>>
    %dma_start3A_539 = tpu.memref_squeeze %dma_start3A_538 : memref<1x32x1024xf32, #tpu.memory_space<vmem>> -> memref<32x1024xf32, #tpu.memory_space<vmem>>
    tpu.enqueue_dma source(%dma_start3A_539 : memref<32x1024xf32, #tpu.memory_space<vmem>>) target(%dma_start3A_535 : memref<32x1024xf32, #tpu.memory_space<hbm>>) target_semaphore(%dma_start3A_533 : memref<!tpu.dma_semaphore, #tpu.memory_space<semaphore_mem>>)
    %dma_wait3A_540 = arith.constant 1 : i32
    %dma_wait3A_541 = arith.constant 1 : i32
    %dma_wait3A_542 = arith.constant 0 : i32
    %dma_wait3A_543 = arith.constant 0 : i32
    %dma_wait3A_544 = tpu.memref_slice %arg5[%dma_wait3A_540, %dma_wait3A_542, %dma_wait3A_543] : memref<2x56x1024xf32, #tpu.memory_space<vmem>> -> memref<1x56x1024xf32, #tpu.memory_space<vmem>>
    %dma_wait3A_545 = tpu.memref_squeeze %dma_wait3A_544 : memref<1x56x1024xf32, #tpu.memory_space<vmem>> -> memref<56x1024xf32, #tpu.memory_space<vmem>>
    %dma_wait3A_546 = arith.constant 0 : i32
    %dma_wait3A_547 = tpu.memref_slice %arg3[%add3A_459, %dma_wait3A_546] : memref<8192x1024xf32, #tpu.memory_space<hbm>> -> memref<56x1024xf32, #tpu.memory_space<hbm>>
    %dma_wait3A_548 = tpu.memref_slice %arg7[%dma_wait3A_541] : memref<2x!tpu.dma_semaphore, #tpu.memory_space<semaphore_mem>> -> memref<1x!tpu.dma_semaphore, #tpu.memory_space<semaphore_mem>>
    %dma_wait3A_549 = tpu.memref_squeeze %dma_wait3A_548 : memref<1x!tpu.dma_semaphore, #tpu.memory_space<semaphore_mem>> -> memref<!tpu.dma_semaphore, #tpu.memory_space<semaphore_mem>>
    %dma_wait3A_550 = arith.constant 0 : i32
    %dma_wait3A_551 = tpu.memref_slice %arg3[%add3A_459, %dma_wait3A_550] : memref<8192x1024xf32, #tpu.memory_space<hbm>> -> memref<56x1024xf32, #tpu.memory_space<hbm>>
    %dma_wait3A_552 = arith.constant 0 : i32
    %dma_wait3A_553 = arith.constant 0 : i32
    %dma_wait3A_554 = tpu.memref_slice %arg5[%dma_wait3A_540, %dma_wait3A_552, %dma_wait3A_553] : memref<2x56x1024xf32, #tpu.memory_space<vmem>> -> memref<1x56x1024xf32, #tpu.memory_space<vmem>>
    %dma_wait3A_555 = tpu.memref_squeeze %dma_wait3A_554 : memref<1x56x1024xf32, #tpu.memory_space<vmem>> -> memref<56x1024xf32, #tpu.memory_space<vmem>>
    tpu.wait_dma2 semaphore(%dma_wait3A_549 : memref<!tpu.dma_semaphore, #tpu.memory_space<semaphore_mem>>) src(%dma_wait3A_555 : memref<56x1024xf32, #tpu.memory_space<vmem>>) dst(%dma_wait3A_551 : memref<56x1024xf32, #tpu.memory_space<hbm>>)
    %dma_wait3A_556 = arith.constant 0 : i32
    %dma_wait3A_557 = arith.constant 0 : i32
    %dma_wait3A_558 = arith.constant 0 : i32
    %dma_wait3A_559 = arith.constant 0 : i32
    %dma_wait3A_560 = tpu.memref_slice %arg5[%dma_wait3A_556, %dma_wait3A_558, %dma_wait3A_559] : memref<2x56x1024xf32, #tpu.memory_space<vmem>> -> memref<1x32x1024xf32, #tpu.memory_space<vmem>>
    %dma_wait3A_561 = tpu.memref_squeeze %dma_wait3A_560 : memref<1x32x1024xf32, #tpu.memory_space<vmem>> -> memref<32x1024xf32, #tpu.memory_space<vmem>>
    %dma_wait3A_562 = arith.constant 0 : i32
    %dma_wait3A_563 = tpu.memref_slice %arg3[%add3A_523, %dma_wait3A_562] : memref<8192x1024xf32, #tpu.memory_space<hbm>> -> memref<32x1024xf32, #tpu.memory_space<hbm>>
    %dma_wait3A_564 = tpu.memref_slice %arg7[%dma_wait3A_557] : memref<2x!tpu.dma_semaphore, #tpu.memory_space<semaphore_mem>> -> memref<1x!tpu.dma_semaphore, #tpu.memory_space<semaphore_mem>>
    %dma_wait3A_565 = tpu.memref_squeeze %dma_wait3A_564 : memref<1x!tpu.dma_semaphore, #tpu.memory_space<semaphore_mem>> -> memref<!tpu.dma_semaphore, #tpu.memory_space<semaphore_mem>>
    %dma_wait3A_566 = arith.constant 0 : i32
    %dma_wait3A_567 = tpu.memref_slice %arg3[%add3A_523, %dma_wait3A_566] : memref<8192x1024xf32, #tpu.memory_space<hbm>> -> memref<32x1024xf32, #tpu.memory_space<hbm>>
    %dma_wait3A_568 = arith.constant 0 : i32
    %dma_wait3A_569 = arith.constant 0 : i32
    %dma_wait3A_570 = tpu.memref_slice %arg5[%dma_wait3A_556, %dma_wait3A_568, %dma_wait3A_569] : memref<2x56x1024xf32, #tpu.memory_space<vmem>> -> memref<1x32x1024xf32, #tpu.memory_space<vmem>>
    %dma_wait3A_571 = tpu.memref_squeeze %dma_wait3A_570 : memref<1x32x1024xf32, #tpu.memory_space<vmem>> -> memref<32x1024xf32, #tpu.memory_space<vmem>>
    tpu.wait_dma2 semaphore(%dma_wait3A_565 : memref<!tpu.dma_semaphore, #tpu.memory_space<semaphore_mem>>) src(%dma_wait3A_571 : memref<32x1024xf32, #tpu.memory_space<vmem>>) dst(%dma_wait3A_567 : memref<32x1024xf32, #tpu.memory_space<hbm>>)
    return
  }
}

</mosaic_0001>

<sc_bundles>
// kernel: kernel.3.cloned.1.call-start
scs
__scs_entry_jumppad:
0x0: {  	(pc) =	sbr.rel $0x88, $3  }
0x1: {  	(tag) =	ssettag $0x0;
	lr =	simm.s32 $0x1  }
0x2: {  	[smem:$0x3FA0] =	sst lr;
	_ =	strace $0xD0000000  }
0x3: {  	_ = 	snop  }
0x4: {  	_ = 	snop  }
0x5: {  	_ = 	snop  }
0x6: {  	_ = 	snop  }
0x7: {  	_ = 	snop  }
__scs_overlays_trampoline_lowered:
0x8: {  	[smem:$0x3FAF] =	sst s0  }
0x9: {  	[smem:$0x3FB0] =	sst s1  }
0xa: {  	[smem:$0x3FB1] =	sst s2  }
0xb: {  	[smem:$0x3FB2] =	sst s3  }
0xc: {  	[smem:$0x3FB3] =	sst s4  }
0xd: {  	[smem:$0x3FB4] =	sst s5  }
0xe: {  	[smem:$0x3FB5] =	sst s6  }
0xf: {  	[smem:$0x3FB6] =	sst s7  }
0x10: {  	[smem:$0x3FB7] =	sst s8  }
0x11: {  	[smem:$0x3FB8] =	sst s9;
	s0 =	simm.s32 @!p0 $0x0  }
0x12: {  	s1 =	sld [smem:$0x3F9E];
	s0 =	simm.s32 @p0 $0x1  }
0x13: {  	[smem:$0x3FB9] =	sst s0;
	s0 =	simm.s32 @!p1 $0x0  }
0x14: {  	s2 =	sld [smem:$0x3F9D];
	s0 =	simm.s32 @p1 $0x1  }
0x15: {  	[smem:$0x3FBA] =	sst s0;
	s0 =	simm.s32 @!p2 $0x0  }
0x16: {  	s3 =	sld [smem:$0x3FDB];
	s0 =	simm.s32 @p2 $0x1  }
0x17: {  	s4 =	simm.s32 $0x1BF5;
	[smem:$0x3FBC] =	sst s0  }
0x18: {  	s0 =	sld [smem:$0x3F9F];
	_ =	swait.ge [sflag:s4], $0x0  }
0x19: {  	s7 =	sld [smem:$0x3FA0]  }
0x1a: {  	s8 =	sadd.s32 $0xFFFFE003, lr  }
0x1b: {  	s9 =	sadd.s32 $0xFFFFFEF7, lr;
	s5 =	simm.s32 $0xFFFFFFFF;
	p2 =	slt.u32 s8, $0xFFFFF086  }
0x1c: {  	p1 =	slt.u32 s9, $0xF7A;
	s5 =	simm.s32 @!p2 $0x0  }
0x1d: {  	s5 =	simm.s32 @p1 $0x1;
	p0 =	seq.s32 s7, s2  }
0x1e: {  	s7 =	smul.u32 @!p0 $0xF7A, s2;
	p2 =	seq.s32 @!p0 s5, $0x0  }
0x1f: {  	s9 =	smul.u32 $0xF7A, s1;
	s8 =	simm.s32 @!p0 $0x1BF5;
	p2 =	por !p2, p0  }
0x20: {  	[sflag:s8] =	ssyncset.s32 @!p0 $0xFFFFF086;
	s6 =	sadd.s32 @!p0 s3, s7;
	s7 =	simm.s32 @!p0 $0x108  }
0x21: {  	s3 =	sadd.s32 s3, s9;
	s6 =	sadd.s32 @!p0 $0x88, s6;
	s7 =	simm.s32 @p2 $0x1082  }
0x22: {  	[simem:s7], [sflag:s8] =	dma.local @!p0 [hbm:s6], $0xF7A  }
0x23: {  	s9 =	sor.u32 $0xD0000000, s2;
	s6 =	simm.s32 $0x108;
	_ =	swait.ge @!p0 [sflag:s8], $0x0  }
0x24: {  	s3 =	sadd.s32 $0x88, s3;
	s6 =	simm.s32 @!p1 $0x1082;
	[sflag:s4] =	ssyncset.s32 $0xFFFFF086  }
0x25: {  	[simem:s6], [sflag:s4] =	dma.local [hbm:s3], $0xF7A  }
0x26: {  	[smem:$0x3FA0] =	sst s1;
	(tag) =	ssettag s2;
	_ =	strace s9  }
0x27: {  	s1 =	sld [smem:$0x3FB0]  }
0x28: {  	s2 =	sld [smem:$0x3FB1]  }
0x29: {  	s4 =	sld [smem:$0x3FB3]  }
0x2a: {  	p0 =	seq.s32 s5, $0x0;
	s5 =	sld [smem:$0x3FB4]  }
0x2b: {  	s6 =	sld [smem:$0x3FB5]  }
0x2c: {  	s7 =	sld [smem:$0x3FB6]  }
0x2d: {  	s3 =	simm.s32 $0x108;
	s8 =	sld [smem:$0x3FB7]  }
0x2e: {  	s3 =	simm.s32 @!p0 $0x1082;
	s9 =	sld [smem:$0x3FB8]  }
0x2f: {  	lr =	sadd.s32 s0, s3;
	s0 =	sld [smem:$0x3FAF]  }
0x30: {  	s3 =	sld [smem:$0x3FB2]  }
0x31: {  	[smem:$0x3FBB] =	sst s10  }
0x32: {  	s10 =	sld [smem:$0x3FB9];
	_ =	sdelay $0x3  }
0x33: {  	p0 =	seq.s32 s10, $0x1;
	s10 =	sld [smem:$0x3FBB];
	_ =	sdelay $0x3  }
0x34: {  	[smem:$0x3FBB] =	sst s10  }
0x35: {  	s10 =	sld [smem:$0x3FBA];
	_ =	sdelay $0x3  }
0x36: {  	p1 =	seq.s32 s10, $0x1;
	s10 =	sld [smem:$0x3FBB];
	_ =	sdelay $0x3  }
0x37: {  	[smem:$0x3FBB] =	sst s10  }
0x38: {  	s10 =	sld [smem:$0x3FBC]  }
0x39: {  	_ = 	snop;
	(pc) =	sbr.ind lr, $3  }
0x3a: {  	_ = 	snop  }
0x3b: {  	_ = 	snop  }
0x3c: {  	p2 =	seq.s32 s10, $0x1;
	s10 =	sld [smem:$0x3FBB]  }
0x3d: {  	_ =	shalt  }
0x3e: {  	_ =	shalt  }
0x3f: {  	_ =	shalt  }
0x40: {  	_ =	shalt  }
0x41: {  	_ =	shalt  }
0x42: {  	_ =	shalt  }
0x43: {  	_ =	shalt  }
0x44: {  	_ =	shalt  }
0x45: {  	_ =	shalt  }
0x46: {  	_ =	shalt  }
0x47: {  	_ =	shalt  }
0x48: {  	_ =	shalt  }
0x49: {  	_ =	shalt  }
0x4a: {  	_ =	shalt  }
0x4b: {  	_ =	shalt  }
0x4c: {  	_ =	shalt  }
0x4d: {  	_ =	shalt  }
0x4e: {  	_ =	shalt  }
0x4f: {  	_ =	shalt  }
0x50: {  	_ =	shalt  }
0x51: {  	_ =	shalt  }
0x52: {  	_ =	shalt  }
0x53: {  	_ =	shalt  }
0x54: {  	_ =	shalt  }
0x55: {  	_ =	shalt  }
0x56: {  	_ =	shalt  }
0x57: {  	_ =	shalt  }
0x58: {  	_ =	shalt  }
0x59: {  	_ =	shalt  }
0x5a: {  	_ =	shalt  }
0x5b: {  	_ =	shalt  }
0x5c: {  	_ =	shalt  }
0x5d: {  	_ =	shalt  }
0x5e: {  	_ =	shalt  }
0x5f: {  	_ =	shalt  }
0x60: {  	_ =	shalt  }
0x61: {  	_ =	shalt  }
0x62: {  	_ =	shalt  }
0x63: {  	_ =	shalt  }
0x64: {  	_ =	shalt  }
0x65: {  	_ =	shalt  }
0x66: {  	_ =	shalt  }
0x67: {  	_ =	shalt  }
0x68: {  	_ =	shalt  }
0x69: {  	_ =	shalt  }
0x6a: {  	_ =	shalt  }
0x6b: {  	_ =	shalt  }
0x6c: {  	_ =	shalt  }
0x6d: {  	_ =	shalt  }
0x6e: {  	_ =	shalt  }
0x6f: {  	_ =	shalt  }
0x70: {  	_ =	shalt  }
0x71: {  	_ =	shalt  }
0x72: {  	_ =	shalt  }
0x73: {  	_ =	shalt  }
0x74: {  	_ =	shalt  }
0x75: {  	_ =	shalt  }
0x76: {  	_ =	shalt  }
0x77: {  	_ =	shalt  }
0x78: {  	_ =	shalt  }
0x79: {  	_ =	shalt  }
0x7a: {  	_ =	shalt  }
0x7b: {  	_ =	shalt  }
0x7c: {  	_ =	shalt  }
0x7d: {  	_ =	shalt  }
0x7e: {  	_ =	shalt  }
0x7f: {  	_ =	shalt  }
0x80: {  	_ =	shalt  }
0x81: {  	_ =	shalt  }
0x82: {  	_ =	shalt  }
0x83: {  	_ =	shalt  }
0x84: {  	_ =	shalt  }
0x85: {  	_ =	shalt  }
0x86: {  	_ =	shalt  }
0x87: {  	_ =	shalt  }
.Lfunc_end0:
.L_simem_size_0:
called_computation_lowered:
.L_overlay_start_0:
0x88: {  	s2 =	sld [smem:$0x3FD9]  }
0x89: {  	s3 =	sld [smem:$0x3FFE];
	_ =	sdelay $0x1  }
0x8a: {  	s1 =	srdreg.scid  }
0x8b: {  	s0 =	sand.u32 $0x1, s1  }
0x8c: {  	s18 =	sshll.u32 s0, $0xA;
	s2 =	sadd.s32 s3, s2  }
0x8d: {  	s2 =	sadd.s32 s2, s18  }
0x8e: {  	[smem:$0x3FC7] =	sst s2  }
0x8f: {  	_ = 	snop  }
0x90: {  	s2 =	sld [smem:$0x3FC9]  }
0x91: {  	s19 =	sld [smem:$0x3FD0];
	(tm) =	ssettm $0x1  }
0x92: {  	s4 =	sld [smem:$0x3FFB];
	_ =	sdelay $0x3  }
0x93: {  	_ =	strace s4  }
0x94: {  	s4 =	sld [smem:$0x3FFC];
	_ =	sdelay $0x3  }
0x95: {  	_ =	strace s4  }
0x96: {  	s4 =	sld [smem:$0x3FFD];
	_ =	sdelay $0x3  }
0x97: {  	_ =	strace s4  }
0x98: {  	_ =	strace $0x8FFFFFFF  }
0x99: {  	s20 =	sld [smem:$0x3FDB];
	_ =	sdelay $0x1  }
0x9a: {  	s5 =	simm.s32 $_scs_section_size  }
0x9b: {  	s6 =	simm.s32 $_size__tile_overlayer_lowered;
	s7 =	simm.s32 $_tile_overlayer_lowered  }
0x9c: {  	s23 =	simm.s32 $0x1BFF;
	s22 =	sshll.u32 s7, $0x1;
	s4 =	sadd.s32 s5, s20  }
0x9d: {  	s8 =	simm.s32 $0x0;
	s21 =	sshll.u32 s6, $0x1;
	s6 =	sadd.s32 s22, s4  }
0x9e: {  	[timem:s8], [sflag:s23] =	dma.local [hbm:s6], s21  }
0x9f: {  	_ =	swait.ge [sflag:s23], s21  }
0xa0: {  	s5 =	ssub.s32 $0x0, s21;
	[sflag:s23] =	ssyncset.done $0x0  }
0xa1: {  	[sflag:s23] =	ssyncadd.s32 s5;
	_ =	sdelay $0x1  }
0xa2: {  	s24 =	simm.s32 $0x1B8B  }
0xa3: {  	_ =	swait.ge [sflag:s24], $0x1  }
0xa4: {  	[sflag:s24] =	ssyncset.done $0x0  }
0xa5: {  	s25 =	simm.s32 $0x1B8E;
	[sflag:s24] =	ssyncadd.s32 $0xFFFFFFFF  }
0xa6: {  	s26 =	simm.s32 $execute0_lowered;
	[smem:$0x3FD2] =	sst s25  }
0xa7: {  	s5 =	sshll.u32 s26, $0x1;
	_ =	strace $0x80000046;
	[dreg:$0x1] =	wrdreg $0xFFFFFFFF  }
0xa8: {  	s28 =	simm.s32 $_size_execute0_lowered;
	s4 =	sadd.s32 s4, s5;
	[dreg:$0x0] =	wrdreg $0x0  }
0xa9: {  	s5 =	sshll.u32 s28, $0x1;
	[dreg:$0x2] =	wrdreg s4  }
0xaa: {  	[dreg:$0x3] =	wrdreg s5  }
0xab: {  	[dreg:$0x4] =	wrdreg $0xC0  }
0xac: {  	_ =	task [dreg:s8], $0x5FFFF  }
0xad: {  	[dreg:$0x1] =	wrdreg $0xFFFFFFFF  }
0xae: {  	[dreg:$0x0] =	wrdreg $0x60  }
0xaf: {  	[dreg:$0x2] =	wrdreg s2  }
0xb0: {  	[dreg:$0x3] =	wrdreg s19  }
0xb1: {  	[dreg:$0x4] =	wrdreg $0x9  }
0xb2: {  	_ =	task.clear_ibuf [dreg:s8], $0x5FFFF;
	_ =	strace $0x90000046  }
0xb3: {  	s29 =	simm.s32 $0x9;
	_ =	strace $0x80000048  }
0xb4: {  	_ =	swait.ge [sflag:s29], $0x1  }
0xb5: {  	[sflag:s29] =	ssyncadd.s32 $0xFFFFFFFF  }
0xb6: {  	_ =	strace $0x90000048  }
0xb7: {  	_ =	sfence  }
0xb8: {  	s30 =	sld [smem:$0x0];
	_ =	sdelay $0x2  }
0xb9: {  	s31 =	sshll.u32 s1, $0xD;
	s1 =	sshrl.u32 s1, $0x2  }
0xba: {  	s3 =	sand.u32 $0x4000, s31;
	s1 =	sadd.s32 s1, s30  }
0xbb: {  	s0 =	sor.u32 s3, s0;
	s1 =	sshll.u32 s1, $0x11  }
0xbc: {  	s0 =	sor.u32 s1, s0  }
0xbd: {  	s0 =	sadd.s32 $0x8F2B, s0  }
0xbe: {  	[sflag:s0] =	ssyncadd.remote.s32 $0x1  }
0xbf: {  	_ =	sfence.sel $0xFFFF  }
0xc0: {  	[dreg:$0x0] =	wrdreg $0xFFFFFFFF;
	(pc) =	sbr.abs _section_cstart, $3  }
0xc1: {  	[dreg:$0x1] =	wrdreg $0xFFFFFFFF  }
0xc2: {  	_ =	task.clear_ibuf [dreg:s8], $0x2FFFF;
	_ =	strace $0x9FFFFFFF  }
0xc3: {  	(tm) =	ssettm $0x7FFFFFFF  }
tec
execute0_lowered:
.L_overlay_start_1:
0x0: {  	(tag) =	ssettag $0x1  }
0x1: {  	s1 =	rddreg [dreg:$0x0]  }
0x2: {  	s5 =	rddreg [dreg:$0x1]  }
0x3: {  	s3 =	simm.s32 $0x0;
	s0 =	srdreg.scid;
	s4 =	stileid.u32  }
0x4: {  	s19 =	simm.s32 $0x8400;
	s20 =	simm.s32 $0xF400;
	s0 =	sand.u32 $0x1, s0  }
0x5: {  	s30 =	simm.s32 $0x11C00;
	[smem:$0x7FF] =	sst s3;
	s2 =	ssub.s32 $0x2, s0  }
0x6: {  	s4 =	sshll.u32 s4, $0x9;
	s0 =	sshll.u32 s0, $0x8;
	s6 =	sshrl.u32 s2, $0x1  }
0x7: {  	_ =	strace $0x80000047;
	s7 =	sor.u32 s0, s4;
	s8 =	ssub.s32 s2, s6  }
0x8: {  	s9 =	sor.u32 $0x1, s7;
	s0 =	sor.u32 $0x11, s7;
	s21 =	sor.u32 $0x21, s7  }
0x9: {  	s4 =	sor.u32 $0x31, s7;
	s25 =	sor.u32 $0x39, s7;
	s26 =	sor.u32 $0x49, s7  }
0xa: {  	s28 =	sor.u32 $0x59, s7;
	s29 =	sor.u32 $0x69, s7;
	s31 =	sor.u32 $0x71, s7  }
0xb: {  	s18 =	sor.u32 $0x81, s7;
	s22 =	sshll.u32 s7, $0x7;
	s16 =	sor.u32 $0x91, s7  }
0xc: {  	s17 =	sor.u32 $0xA1, s7;
	s15 =	sor.u32 $0xA9, s7;
	s13 =	sor.u32 $0xB9, s7  }
0xd: {  	s14 =	sor.u32 $0xC9, s7;
	s10 =	sor.u32 $0xD9, s7;
	s11 =	sor.u32 $0xE1, s7  }
0xe: {  	v20 =	vlaneseq.u32;
	vm0 =	vmmov $0xffff;
	s12 =	sor.u32 $0xF1, s7;
	s6 =	sadd.s32 s5, s22;
	s7 =	smax.u32 s8, $0x1  }
0xf: {  	v17 =	vshrl.u32 v20, $0x3;
	s8 =	sadd.s32 $0x300, s1;
	v3 =	vadd.s32 s4, v20;
	v6 =	vadd.s32 s28, v20;
	s4 =	simm.s32 $0x1;
	s28 =	simm.s32 $0x3  }
0x10: {  	v4 =	vadd.s32 s25, v20;
	v5 =	vadd.s32 s26, v20;
	v19 =	vadd.s32 s11, v20;
	s26 =	simm.s32 $0x400;
	s25 =	simm.s32 $0x9400;
	s11 =	simm.s32 $0xAC00  }
0x11: {  	v10 =	vadd.s32 s16, v20;
	v12 =	vadd.s32 s15, v20;
	v14 =	vadd.s32 s14, v20;
	s14 =	simm.s32 $0xC400;
	s15 =	simm.s32 $0xCC00;
	s16 =	simm.s32 $0xD400  }
0x12: {  	v17 =	vmul.u32 $0x8, v17;
	v0 =	vadd.s32 s9, v20;
	v11 =	vadd.s32 s17, v20;
	s17 =	simm.s32 $0xDC00;
	s5 =	sadd.s32 $0x1C00, s6;
	[dreg:$0x7] =	wrdreg s6  }
0x13: {  	v1 =	vadd.s32 s0, v20;
	v9 =	vadd.s32 s18, v20;
	s18 =	simm.s32 $0xE400;
	s23 =	sadd.s32 $0x3800, s6;
	v13 =	vshll.u32 v0, $0x3;
	[dreg:$0x3] =	wrdreg s5  }
0x14: {  	v2 =	vadd.s32 s21, v20;
	s21 =	simm.s32 $0xFC00;
	s24 =	sadd.s32 $0x5400, s6;
	v15 =	vand.u32 $0x7, v0;
	[dreg:$0x4] =	wrdreg s23;
	v16 =	vand.u32 $0x7FFFFFC0, v13  }
0x15: {  	s22 =	simm.s32 $0x10400;
	s6 =	sadd.s32 $0x7000, s6;
	[dreg:$0x5] =	wrdreg s24;
	v18 =	vor.u32 v15, v16;
	v15 =	vand.u32 $0x7, v20;
	v16 =	vor.u32 $0x8, v20  }
0x16: {  	v7 =	vadd.s32 s29, v20;
	s29 =	simm.s32 $0x12400;
	s5 =	sadd.s32 $0x100, s1;
	[dreg:$0x6] =	wrdreg s6;
	v21 =	vperm.xlane v18, v15;
	v22 =	vperm.xlane v18, v16  }
0x17: {  	v8 =	vadd.s32 s31, v20;
	s6 =	sadd.s32 $0x200, s1;
	v13 =	vadd.s32 s13, v20;
	s13 =	simm.s32 $0xBC00;
	s23 =	simm.s32 $0x10C00;
	v18 =	vadd.s32 s10, v20  }
0x18: {  	s24 =	simm.s32 $0x11400;
	v20 =	vadd.s32 s12, v20;
	s10 =	simm.s32 $0x9C00;
	s12 =	simm.s32 $0xB400;
	v21 =	vadd.s32 v17, v21;
	v22 =	vadd.s32 v17, v22  }
.LBB2_1:
0x19: {  	[tilespmem:$0x0] =	vst v0  }
0x1a: {  	[tilespmem:$0x10] =	vst v1  }
0x1b: {  	[tilespmem:$0x20] =	vst v2  }
0x1c: {  	[tilespmem:$0x30] =	vst v3  }
0x1d: {  	[tilespmem:$0x80] =	vst v4  }
0x1e: {  	[tilespmem:$0x90] =	vst v5  }
0x1f: {  	[tilespmem:$0xA0] =	vst v6  }
0x20: {  	[tilespmem:$0xB0] =	vst v7  }
0x21: {  	[tilespmem:$0x100] =	vst v8  }
0x22: {  	[tilespmem:$0x110] =	vst v9  }
0x23: {  	[tilespmem:$0x120] =	vst v10  }
0x24: {  	[tilespmem:$0x130] =	vst v11  }
0x25: {  	[tilespmem:$0x180] =	vst v12  }
0x26: {  	[tilespmem:$0x190] =	vst v13  }
0x27: {  	[tilespmem:$0x1A0] =	vst v14  }
0x28: {  	[tilespmem:$0x1B0] =	vst v18  }
0x29: {  	[tilespmem:$0x200] =	vst v19  }
0x2a: {  	[tilespmem:$0x210] =	vst v20  }
0x2b: {  	[tilespmem:s26], [sflag:$0x1] =	stream.indirect_vreg.gather [hbm4b:s1+s3], $0x80, v21, vm0, $0xb8;
	[tilespmem:$0x1C400] =	vst v63  }
0x2c: {  	s0 =	simm.s32 $0xC00  }
0x2d: {  	[tilespmem:s0], [sflag:$0x1] =	stream.indirect_vreg.gather [hbm4b:s5+s3], $0x80, v21, vm0, $0xb8;
	[tilespmem:$0x1C400] =	vst v63  }
0x2e: {  	s2 =	simm.s32 $0x1400  }
0x2f: {  	[tilespmem:s2], [sflag:$0x1] =	stream.indirect_vreg.gather [hbm4b:s6+s3], $0x80, v21, vm0, $0xb8;
	[tilespmem:$0x1C400] =	vst v63  }
0x30: {  	s9 =	simm.s32 $0x1C00  }
0x31: {  	[tilespmem:s9], [sflag:$0x1] =	stream.indirect_vreg.gather [hbm4b:s8+s3], $0x80, v21, vm0, $0xb8;
	[tilespmem:$0x1C400] =	vst v63  }
0x32: {  	s31 =	simm.s32 $0x2400  }
0x33: {  	[tilespmem:s31], [sflag:$0x1] =	stream.indirect_vreg.gather [hbm4b:s1+s3], $0x80, v22, vm0, $0xb8;
	[tilespmem:$0x1C400] =	vst v63  }
0x34: {  	s2 =	simm.s32 $0x2C00  }
0x35: {  	[tilespmem:s2], [sflag:$0x1] =	stream.indirect_vreg.gather [hbm4b:s5+s3], $0x80, v22, vm0, $0xb8;
	[tilespmem:$0x1C400] =	vst v63  }
0x36: {  	s9 =	simm.s32 $0x3400  }
0x37: {  	[tilespmem:s9], [sflag:$0x1] =	stream.indirect_vreg.gather [hbm4b:s6+s3], $0x80, v22, vm0, $0xb8;
	[tilespmem:$0x1C400] =	vst v63  }
0x38: {  	s31 =	simm.s32 $0x3C00  }
0x39: {  	[tilespmem:s31], [sflag:$0x1] =	stream.indirect_vreg.gather [hbm4b:s8+s3], $0x80, v22, vm0, $0xb8;
	[tilespmem:$0x1C400] =	vst v63  }
0x3a: {  	v23 =	vld [tilespmem:$0x10];
	_ =	sdelay $0x4  }
0x3b: {  	v24 =	vshll.u32 v23, $0x3  }
0x3c: {  	v23 =	vand.u32 $0x7, v23;
	v24 =	vand.u32 $0xFFFFFFC0, v24  }
0x3d: {  	v23 =	vor.u32 v23, v24  }
0x3e: {  	v24 =	vperm.xlane v23, v15;
	_ =	sdelay $0x1  }
0x3f: {  	v24 =	vadd.s32 v17, v24;
	_ =	sdelay $0x3  }
0x40: {  	s2 =	simm.s32 $0x4400  }
0x41: {  	[tilespmem:s2], [sflag:$0x1] =	stream.indirect_vreg.gather [hbm4b:s1+s3], $0x80, v24, vm0, $0xb8;
	[tilespmem:$0x1C400] =	vst v63  }
0x42: {  	s9 =	simm.s32 $0x4C00;
	v23 =	vperm.xlane v23, v16  }
0x43: {  	[tilespmem:s9], [sflag:$0x1] =	stream.indirect_vreg.gather [hbm4b:s5+s3], $0x80, v24, vm0, $0xb8;
	[tilespmem:$0x1C400] =	vst v63  }
0x44: {  	s31 =	simm.s32 $0x5400;
	v23 =	vadd.s32 v17, v23  }
0x45: {  	[tilespmem:s31], [sflag:$0x1] =	stream.indirect_vreg.gather [hbm4b:s6+s3], $0x80, v24, vm0, $0xb8;
	[tilespmem:$0x1C400] =	vst v63  }
0x46: {  	s2 =	simm.s32 $0x5C00  }
0x47: {  	[tilespmem:s2], [sflag:$0x1] =	stream.indirect_vreg.gather [hbm4b:s8+s3], $0x80, v24, vm0, $0xb8;
	[tilespmem:$0x1C400] =	vst v63  }
0x48: {  	s9 =	simm.s32 $0x6400  }
0x49: {  	[tilespmem:s9], [sflag:$0x1] =	stream.indirect_vreg.gather [hbm4b:s1+s3], $0x80, v23, vm0, $0xb8;
	[tilespmem:$0x1C400] =	vst v63  }
0x4a: {  	s31 =	simm.s32 $0x6C00  }
0x4b: {  	[tilespmem:s31], [sflag:$0x1] =	stream.indirect_vreg.gather [hbm4b:s5+s3], $0x80, v23, vm0, $0xb8;
	[tilespmem:$0x1C400] =	vst v63  }
0x4c: {  	s2 =	simm.s32 $0x7400  }
0x4d: {  	[tilespmem:s2], [sflag:$0x1] =	stream.indirect_vreg.gather [hbm4b:s6+s3], $0x80, v23, vm0, $0xb8;
	[tilespmem:$0x1C400] =	vst v63  }
0x4e: {  	s9 =	simm.s32 $0x7C00  }
0x4f: {  	[tilespmem:s9], [sflag:$0x1] =	stream.indirect_vreg.gather [hbm4b:s8+s3], $0x80, v23, vm0, $0xb8;
	[tilespmem:$0x1C400] =	vst v63  }
0x50: {  	v23 =	vld [tilespmem:$0x20];
	_ =	sdelay $0x4  }
0x51: {  	v48 =	vshll.u32 v23, $0x3  }
0x52: {  	v23 =	vand.u32 $0x7, v23;
	v24 =	vand.u32 $0xFFFFFFC0, v48  }
0x53: {  	v23 =	vor.u32 v23, v24  }
0x54: {  	v24 =	vperm.xlane v23, v15;
	_ =	sdelay $0x1  }
0x55: {  	v24 =	vadd.s32 v17, v24;
	_ =	sdelay $0x4  }
0x56: {  	[tilespmem:s19], [sflag:$0x1] =	stream.indirect_vreg.gather [hbm4b:s1+s3], $0x80, v24, vm0, $0xb8;
	[tilespmem:$0x1C400] =	vst v63  }
0x57: {  	s2 =	simm.s32 $0x8C00;
	v23 =	vperm.xlane v23, v16  }
0x58: {  	[tilespmem:s2], [sflag:$0x1] =	stream.indirect_vreg.gather [hbm4b:s5+s3], $0x80, v24, vm0, $0xb8;
	[tilespmem:$0x1C400] =	vst v63  }
0x59: {  	v23 =	vadd.s32 v17, v23  }
0x5a: {  	[tilespmem:s25], [sflag:$0x1] =	stream.indirect_vreg.gather [hbm4b:s6+s3], $0x80, v24, vm0, $0xb8;
	[tilespmem:$0x1C400] =	vst v63  }
0x5b: {  	_ = 	snop  }
0x5c: {  	[tilespmem:s10], [sflag:$0x1] =	stream.indirect_vreg.gather [hbm4b:s8+s3], $0x80, v24, vm0, $0xb8;
	[tilespmem:$0x1C400] =	vst v63  }
0x5d: {  	s9 =	simm.s32 $0xA400  }
0x5e: {  	[tilespmem:s9], [sflag:$0x1] =	stream.indirect_vreg.gather [hbm4b:s1+s3], $0x80, v23, vm0, $0xb8;
	[tilespmem:$0x1C400] =	vst v63  }
0x5f: {  	_ = 	snop  }
0x60: {  	[tilespmem:s11], [sflag:$0x1] =	stream.indirect_vreg.gather [hbm4b:s5+s3], $0x80, v23, vm0, $0xb8;
	[tilespmem:$0x1C400] =	vst v63  }
0x61: {  	_ = 	snop  }
0x62: {  	[tilespmem:s12], [sflag:$0x1] =	stream.indirect_vreg.gather [hbm4b:s6+s3], $0x80, v23, vm0, $0xb8;
	[tilespmem:$0x1C400] =	vst v63  }
0x63: {  	_ = 	snop  }
0x64: {  	[tilespmem:s13], [sflag:$0x1] =	stream.indirect_vreg.gather [hbm4b:s8+s3], $0x80, v23, vm0, $0xb8;
	[tilespmem:$0x1C400] =	vst v63  }
0x65: {  	v23 =	vld.msk [tilespmem:$0x30], $0xff;
	_ =	sdelay $0x4  }
0x66: {  	v49 =	vshll.u32 v23, $0x3  }
0x67: {  	v23 =	vand.u32 $0x7, v23;
	v24 =	vand.u32 $0xFFFFFFC0, v49  }
0x68: {  	v23 =	vor.u32 v23, v24  }
0x69: {  	v23 =	vperm.xlane v23, v15;
	_ =	sdelay $0x1  }
0x6a: {  	v23 =	vadd.s32 v17, v23;
	_ =	sdelay $0x4  }
0x6b: {  	[tilespmem:s14], [sflag:$0x1] =	stream.indirect_vreg.gather [hbm4b:s1+s3], $0x80, v23, vm0, $0xb8;
	[tilespmem:$0x1C400] =	vst v63  }
0x6c: {  	_ = 	snop  }
0x6d: {  	[tilespmem:s15], [sflag:$0x1] =	stream.indirect_vreg.gather [hbm4b:s5+s3], $0x80, v23, vm0, $0xb8;
	[tilespmem:$0x1C400] =	vst v63  }
0x6e: {  	_ = 	snop  }
0x6f: {  	[tilespmem:s16], [sflag:$0x1] =	stream.indirect_vreg.gather [hbm4b:s6+s3], $0x80, v23, vm0, $0xb8;
	[tilespmem:$0x1C400] =	vst v63  }
0x70: {  	_ = 	snop  }
0x71: {  	[tilespmem:s17], [sflag:$0x1] =	stream.indirect_vreg.gather [hbm4b:s8+s3], $0x80, v23, vm0, $0xb8;
	[tilespmem:$0x1C400] =	vst v63  }
0x72: {  	v23 =	vld [tilespmem:$0x80];
	_ =	sdelay $0x4  }
0x73: {  	v50 =	vshll.u32 v23, $0x3  }
0x74: {  	v23 =	vand.u32 $0x7, v23;
	v24 =	vand.u32 $0xFFFFFFC0, v50  }
0x75: {  	v23 =	vor.u32 v23, v24  }
0x76: {  	v24 =	vperm.xlane v23, v15;
	_ =	sdelay $0x1  }
0x77: {  	v24 =	vadd.s32 v17, v24;
	_ =	sdelay $0x4  }
0x78: {  	[tilespmem:s18], [sflag:$0x2] =	stream.indirect_vreg.gather [hbm4b:s1+s3], $0x80, v24, vm0, $0xb8;
	[tilespmem:$0x1C400] =	vst v63  }
0x79: {  	s31 =	simm.s32 $0xEC00;
	v23 =	vperm.xlane v23, v16  }
0x7a: {  	[tilespmem:s31], [sflag:$0x2] =	stream.indirect_vreg.gather [hbm4b:s5+s3], $0x80, v24, vm0, $0xb8;
	[tilespmem:$0x1C400] =	vst v63  }
0x7b: {  	v23 =	vadd.s32 v17, v23  }
0x7c: {  	[tilespmem:s20], [sflag:$0x2] =	stream.indirect_vreg.gather [hbm4b:s6+s3], $0x80, v24, vm0, $0xb8;
	[tilespmem:$0x1C400] =	vst v63  }
0x7d: {  	_ = 	snop  }
0x7e: {  	[tilespmem:s21], [sflag:$0x2] =	stream.indirect_vreg.gather [hbm4b:s8+s3], $0x80, v24, vm0, $0xb8;
	[tilespmem:$0x1C400] =	vst v63  }
0x7f: {  	_ = 	snop  }
0x80: {  	[tilespmem:s22], [sflag:$0x2] =	stream.indirect_vreg.gather [hbm4b:s1+s3], $0x80, v23, vm0, $0xb8;
	[tilespmem:$0x1C400] =	vst v63  }
0x81: {  	_ = 	snop  }
0x82: {  	[tilespmem:s23], [sflag:$0x2] =	stream.indirect_vreg.gather [hbm4b:s5+s3], $0x80, v23, vm0, $0xb8;
	[tilespmem:$0x1C400] =	vst v63  }
0x83: {  	_ = 	snop  }
0x84: {  	[tilespmem:s24], [sflag:$0x2] =	stream.indirect_vreg.gather [hbm4b:s6+s3], $0x80, v23, vm0, $0xb8;
	[tilespmem:$0x1C400] =	vst v63  }
0x85: {  	_ = 	snop  }
0x86: {  	[tilespmem:s30], [sflag:$0x2] =	stream.indirect_vreg.gather [hbm4b:s8+s3], $0x80, v23, vm0, $0xb8;
	[tilespmem:$0x1C400] =	vst v63  }
0x87: {  	v23 =	vld [tilespmem:$0x90];
	_ =	sdelay $0x4  }
0x88: {  	v51 =	vshll.u32 v23, $0x3  }
0x89: {  	v23 =	vand.u32 $0x7, v23;
	v24 =	vand.u32 $0xFFFFFFC0, v51  }
0x8a: {  	v23 =	vor.u32 v23, v24  }
0x8b: {  	v24 =	vperm.xlane v23, v15;
	_ =	sdelay $0x1  }
0x8c: {  	v24 =	vadd.s32 v17, v24;
	_ =	sdelay $0x4  }
0x8d: {  	[tilespmem:s29], [sflag:$0x2] =	stream.indirect_vreg.gather [hbm4b:s1+s3], $0x80, v24, vm0, $0xb8;
	[tilespmem:$0x1C400] =	vst v63  }
0x8e: {  	s31 =	simm.s32 $0x12C00;
	v23 =	vperm.xlane v23, v16  }
0x8f: {  	[tilespmem:s31], [sflag:$0x2] =	stream.indirect_vreg.gather [hbm4b:s5+s3], $0x80, v24, vm0, $0xb8;
	[tilespmem:$0x1C400] =	vst v63  }
0x90: {  	v23 =	vadd.s32 v17, v23;
	s31 =	simm.s32 $0x13400  }
0x91: {  	[tilespmem:s31], [sflag:$0x2] =	stream.indirect_vreg.gather [hbm4b:s6+s3], $0x80, v24, vm0, $0xb8;
	[tilespmem:$0x1C400] =	vst v63  }
0x92: {  	s31 =	simm.s32 $0x13C00  }
0x93: {  	[tilespmem:s31], [sflag:$0x2] =	stream.indirect_vreg.gather [hbm4b:s8+s3], $0x80, v24, vm0, $0xb8;
	[tilespmem:$0x1C400] =	vst v63  }
0x94: {  	s31 =	simm.s32 $0x14400  }
0x95: {  	[tilespmem:s31], [sflag:$0x2] =	stream.indirect_vreg.gather [hbm4b:s1+s3], $0x80, v23, vm0, $0xb8;
	[tilespmem:$0x1C400] =	vst v63  }
0x96: {  	s31 =	simm.s32 $0x14C00  }
0x97: {  	[tilespmem:s31], [sflag:$0x2] =	stream.indirect_vreg.gather [hbm4b:s5+s3], $0x80, v23, vm0, $0xb8;
	[tilespmem:$0x1C400] =	vst v63  }
0x98: {  	s31 =	simm.s32 $0x15400  }
0x99: {  	[tilespmem:s31], [sflag:$0x2] =	stream.indirect_vreg.gather [hbm4b:s6+s3], $0x80, v23, vm0, $0xb8;
	[tilespmem:$0x1C400] =	vst v63  }
0x9a: {  	s31 =	simm.s32 $0x15C00  }
0x9b: {  	[tilespmem:s31], [sflag:$0x2] =	stream.indirect_vreg.gather [hbm4b:s8+s3], $0x80, v23, vm0, $0xb8;
	[tilespmem:$0x1C400] =	vst v63  }
0x9c: {  	v23 =	vld [tilespmem:$0xA0];
	_ =	sdelay $0x4  }
0x9d: {  	v52 =	vshll.u32 v23, $0x3  }
0x9e: {  	v23 =	vand.u32 $0x7, v23;
	v24 =	vand.u32 $0xFFFFFFC0, v52  }
0x9f: {  	v23 =	vor.u32 v23, v24  }
0xa0: {  	v24 =	vperm.xlane v23, v15;
	_ =	sdelay $0x1  }
0xa1: {  	v24 =	vadd.s32 v17, v24;
	_ =	sdelay $0x3  }
0xa2: {  	s31 =	simm.s32 $0x16400  }
0xa3: {  	[tilespmem:s31], [sflag:$0x2] =	stream.indirect_vreg.gather [hbm4b:s1+s3], $0x80, v24, vm0, $0xb8;
	[tilespmem:$0x1C400] =	vst v63  }
0xa4: {  	v23 =	vperm.xlane v23, v16;
	s31 =	simm.s32 $0x16C00  }
0xa5: {  	[tilespmem:s31], [sflag:$0x2] =	stream.indirect_vreg.gather [hbm4b:s5+s3], $0x80, v24, vm0, $0xb8;
	[tilespmem:$0x1C400] =	vst v63  }
0xa6: {  	v23 =	vadd.s32 v17, v23;
	s31 =	simm.s32 $0x17400  }
0xa7: {  	[tilespmem:s31], [sflag:$0x2] =	stream.indirect_vreg.gather [hbm4b:s6+s3], $0x80, v24, vm0, $0xb8;
	[tilespmem:$0x1C400] =	vst v63  }
0xa8: {  	s31 =	simm.s32 $0x17C00  }
0xa9: {  	[tilespmem:s31], [sflag:$0x2] =	stream.indirect_vreg.gather [hbm4b:s8+s3], $0x80, v24, vm0, $0xb8;
	[tilespmem:$0x1C400] =	vst v63  }
0xaa: {  	s31 =	simm.s32 $0x18400  }
0xab: {  	[tilespmem:s31], [sflag:$0x2] =	stream.indirect_vreg.gather [hbm4b:s1+s3], $0x80, v23, vm0, $0xb8;
	[tilespmem:$0x1C400] =	vst v63  }
0xac: {  	s31 =	simm.s32 $0x18C00  }
0xad: {  	[tilespmem:s31], [sflag:$0x2] =	stream.indirect_vreg.gather [hbm4b:s5+s3], $0x80, v23, vm0, $0xb8;
	[tilespmem:$0x1C400] =	vst v63  }
0xae: {  	s31 =	simm.s32 $0x19400  }
0xaf: {  	[tilespmem:s31], [sflag:$0x2] =	stream.indirect_vreg.gather [hbm4b:s6+s3], $0x80, v23, vm0, $0xb8;
	[tilespmem:$0x1C400] =	vst v63  }
0xb0: {  	s31 =	simm.s32 $0x19C00  }
0xb1: {  	[tilespmem:s31], [sflag:$0x2] =	stream.indirect_vreg.gather [hbm4b:s8+s3], $0x80, v23, vm0, $0xb8;
	[tilespmem:$0x1C400] =	vst v63  }
0xb2: {  	v23 =	vld.msk [tilespmem:$0xB0], $0xff;
	_ =	sdelay $0x4  }
0xb3: {  	v53 =	vshll.u32 v23, $0x3  }
0xb4: {  	v23 =	vand.u32 $0x7, v23;
	v24 =	vand.u32 $0xFFFFFFC0, v53  }
0xb5: {  	v23 =	vor.u32 v23, v24  }
0xb6: {  	v23 =	vperm.xlane v23, v15;
	_ =	sdelay $0x1  }
0xb7: {  	v23 =	vadd.s32 v17, v23;
	_ =	sdelay $0x3  }
0xb8: {  	s31 =	simm.s32 $0x1A400  }
0xb9: {  	[tilespmem:s31], [sflag:$0x2] =	stream.indirect_vreg.gather [hbm4b:s1+s3], $0x80, v23, vm0, $0xb8;
	[tilespmem:$0x1C400] =	vst v63  }
0xba: {  	s31 =	simm.s32 $0x1AC00  }
0xbb: {  	[tilespmem:s31], [sflag:$0x2] =	stream.indirect_vreg.gather [hbm4b:s5+s3], $0x80, v23, vm0, $0xb8;
	[tilespmem:$0x1C400] =	vst v63  }
0xbc: {  	s31 =	simm.s32 $0x1B400  }
0xbd: {  	[tilespmem:s31], [sflag:$0x2] =	stream.indirect_vreg.gather [hbm4b:s6+s3], $0x80, v23, vm0, $0xb8;
	[tilespmem:$0x1C400] =	vst v63  }
0xbe: {  	s31 =	simm.s32 $0x1BC00  }
0xbf: {  	[tilespmem:s31], [sflag:$0x2] =	stream.indirect_vreg.gather [hbm4b:s8+s3], $0x80, v23, vm0, $0xb8;
	[tilespmem:$0x1C400] =	vst v63  }
0xc0: {  	_ =	swait.ge [sflag:s4], $0xE000  }
0xc1: {  	[sflag:s4] =	ssyncset.done $0x0  }
0xc2: {  	s0 =	simm.s32 $0x2;
	s31 =	rddreg [dreg:$0x7];
	[sflag:s4] =	ssyncadd.s32 $0xFFFF2000  }
0xc3: {  	[hbm4b:s31+s3] =	stream.linear.scatter [tilespmem:s26], [sflag:$0x3], $0xE000, $0x38;
	[tilespmem:$0x1C400] =	vst v63  }
0xc4: {  	_ =	swait.ge [sflag:s0], $0xE000  }
0xc5: {  	[sflag:s0] =	ssyncset.done $0x0  }
0xc6: {  	s31 =	rddreg [dreg:$0x3];
	[sflag:s0] =	ssyncadd.s32 $0xFFFF2000  }
0xc7: {  	[hbm4b:s31+s3] =	stream.linear.scatter [tilespmem:s18], [sflag:$0x4], $0xE000, $0x38;
	[tilespmem:$0x1C400] =	vst v63  }
0xc8: {  	_ =	swait.ge [sflag:s28], $0xE000  }
0xc9: {  	[sflag:s28] =	ssyncset.done $0x0  }
0xca: {  	[sflag:s28] =	ssyncadd.s32 $0xFFFF2000  }
0xcb: {  	v23 =	vld [tilespmem:$0x100];
	_ =	sdelay $0x4  }
0xcc: {  	v54 =	vshll.u32 v23, $0x3  }
0xcd: {  	v23 =	vand.u32 $0x7, v23;
	v24 =	vand.u32 $0xFFFFFFC0, v54  }
0xce: {  	v23 =	vor.u32 v23, v24  }
0xcf: {  	v24 =	vperm.xlane v23, v15;
	_ =	sdelay $0x1  }
0xd0: {  	v24 =	vadd.s32 v17, v24;
	_ =	sdelay $0x4  }
0xd1: {  	[tilespmem:s26], [sflag:$0x1] =	stream.indirect_vreg.gather [hbm4b:s1+s3], $0x80, v24, vm0, $0xb8;
	[tilespmem:$0x1C400] =	vst v63  }
0xd2: {  	s31 =	simm.s32 $0xC00;
	v23 =	vperm.xlane v23, v16  }
0xd3: {  	[tilespmem:s31], [sflag:$0x1] =	stream.indirect_vreg.gather [hbm4b:s5+s3], $0x80, v24, vm0, $0xb8;
	[tilespmem:$0x1C400] =	vst v63  }
0xd4: {  	v23 =	vadd.s32 v17, v23;
	s31 =	simm.s32 $0x1400  }
0xd5: {  	[tilespmem:s31], [sflag:$0x1] =	stream.indirect_vreg.gather [hbm4b:s6+s3], $0x80, v24, vm0, $0xb8;
	[tilespmem:$0x1C400] =	vst v63  }
0xd6: {  	s31 =	simm.s32 $0x1C00  }
0xd7: {  	[tilespmem:s31], [sflag:$0x1] =	stream.indirect_vreg.gather [hbm4b:s8+s3], $0x80, v24, vm0, $0xb8;
	[tilespmem:$0x1C400] =	vst v63  }
0xd8: {  	s31 =	simm.s32 $0x2400  }
0xd9: {  	[tilespmem:s31], [sflag:$0x1] =	stream.indirect_vreg.gather [hbm4b:s1+s3], $0x80, v23, vm0, $0xb8;
	[tilespmem:$0x1C400] =	vst v63  }
0xda: {  	s31 =	simm.s32 $0x2C00  }
0xdb: {  	[tilespmem:s31], [sflag:$0x1] =	stream.indirect_vreg.gather [hbm4b:s5+s3], $0x80, v23, vm0, $0xb8;
	[tilespmem:$0x1C400] =	vst v63  }
0xdc: {  	s31 =	simm.s32 $0x3400  }
0xdd: {  	[tilespmem:s31], [sflag:$0x1] =	stream.indirect_vreg.gather [hbm4b:s6+s3], $0x80, v23, vm0, $0xb8;
	[tilespmem:$0x1C400] =	vst v63  }
0xde: {  	s31 =	simm.s32 $0x3C00  }
0xdf: {  	[tilespmem:s31], [sflag:$0x1] =	stream.indirect_vreg.gather [hbm4b:s8+s3], $0x80, v23, vm0, $0xb8;
	[tilespmem:$0x1C400] =	vst v63  }
0xe0: {  	v23 =	vld [tilespmem:$0x110];
	_ =	sdelay $0x4  }
0xe1: {  	v55 =	vshll.u32 v23, $0x3  }
0xe2: {  	v23 =	vand.u32 $0x7, v23;
	v24 =	vand.u32 $0xFFFFFFC0, v55  }
0xe3: {  	v23 =	vor.u32 v23, v24  }
0xe4: {  	v24 =	vperm.xlane v23, v15;
	_ =	sdelay $0x1  }
0xe5: {  	v24 =	vadd.s32 v17, v24;
	_ =	sdelay $0x3  }
0xe6: {  	s31 =	simm.s32 $0x4400  }
0xe7: {  	[tilespmem:s31], [sflag:$0x1] =	stream.indirect_vreg.gather [hbm4b:s1+s3], $0x80, v24, vm0, $0xb8;
	[tilespmem:$0x1C400] =	vst v63  }
0xe8: {  	v23 =	vperm.xlane v23, v16;
	s31 =	simm.s32 $0x4C00  }
0xe9: {  	[tilespmem:s31], [sflag:$0x1] =	stream.indirect_vreg.gather [hbm4b:s5+s3], $0x80, v24, vm0, $0xb8;
	[tilespmem:$0x1C400] =	vst v63  }
0xea: {  	v23 =	vadd.s32 v17, v23;
	s31 =	simm.s32 $0x5400  }
0xeb: {  	[tilespmem:s31], [sflag:$0x1] =	stream.indirect_vreg.gather [hbm4b:s6+s3], $0x80, v24, vm0, $0xb8;
	[tilespmem:$0x1C400] =	vst v63  }
0xec: {  	s31 =	simm.s32 $0x5C00  }
0xed: {  	[tilespmem:s31], [sflag:$0x1] =	stream.indirect_vreg.gather [hbm4b:s8+s3], $0x80, v24, vm0, $0xb8;
	[tilespmem:$0x1C400] =	vst v63  }
0xee: {  	s31 =	simm.s32 $0x6400  }
0xef: {  	[tilespmem:s31], [sflag:$0x1] =	stream.indirect_vreg.gather [hbm4b:s1+s3], $0x80, v23, vm0, $0xb8;
	[tilespmem:$0x1C400] =	vst v63  }
0xf0: {  	s31 =	simm.s32 $0x6C00  }
0xf1: {  	[tilespmem:s31], [sflag:$0x1] =	stream.indirect_vreg.gather [hbm4b:s5+s3], $0x80, v23, vm0, $0xb8;
	[tilespmem:$0x1C400] =	vst v63  }
0xf2: {  	s31 =	simm.s32 $0x7400  }
0xf3: {  	[tilespmem:s31], [sflag:$0x1] =	stream.indirect_vreg.gather [hbm4b:s6+s3], $0x80, v23, vm0, $0xb8;
	[tilespmem:$0x1C400] =	vst v63  }
0xf4: {  	s31 =	simm.s32 $0x7C00  }
0xf5: {  	[tilespmem:s31], [sflag:$0x1] =	stream.indirect_vreg.gather [hbm4b:s8+s3], $0x80, v23, vm0, $0xb8;
	[tilespmem:$0x1C400] =	vst v63  }
0xf6: {  	v23 =	vld [tilespmem:$0x120];
	_ =	sdelay $0x4  }
0xf7: {  	v56 =	vshll.u32 v23, $0x3  }
0xf8: {  	v23 =	vand.u32 $0x7, v23;
	v24 =	vand.u32 $0xFFFFFFC0, v56  }
0xf9: {  	v23 =	vor.u32 v23, v24  }
0xfa: {  	v24 =	vperm.xlane v23, v15;
	_ =	sdelay $0x1  }
0xfb: {  	v24 =	vadd.s32 v17, v24;
	_ =	sdelay $0x4  }
0xfc: {  	[tilespmem:s19], [sflag:$0x1] =	stream.indirect_vreg.gather [hbm4b:s1+s3], $0x80, v24, vm0, $0xb8;
	[tilespmem:$0x1C400] =	vst v63  }
0xfd: {  	v23 =	vperm.xlane v23, v16  }
0xfe: {  	[tilespmem:s2], [sflag:$0x1] =	stream.indirect_vreg.gather [hbm4b:s5+s3], $0x80, v24, vm0, $0xb8;
	[tilespmem:$0x1C400] =	vst v63  }
0xff: {  	v23 =	vadd.s32 v17, v23  }
0x100: {  	[tilespmem:s25], [sflag:$0x1] =	stream.indirect_vreg.gather [hbm4b:s6+s3], $0x80, v24, vm0, $0xb8;
	[tilespmem:$0x1C400] =	vst v63  }
0x101: {  	_ = 	snop  }
0x102: {  	[tilespmem:s10], [sflag:$0x1] =	stream.indirect_vreg.gather [hbm4b:s8+s3], $0x80, v24, vm0, $0xb8;
	[tilespmem:$0x1C400] =	vst v63  }
0x103: {  	_ = 	snop  }
0x104: {  	[tilespmem:s9], [sflag:$0x1] =	stream.indirect_vreg.gather [hbm4b:s1+s3], $0x80, v23, vm0, $0xb8;
	[tilespmem:$0x1C400] =	vst v63  }
0x105: {  	_ = 	snop  }
0x106: {  	[tilespmem:s11], [sflag:$0x1] =	stream.indirect_vreg.gather [hbm4b:s5+s3], $0x80, v23, vm0, $0xb8;
	[tilespmem:$0x1C400] =	vst v63  }
0x107: {  	_ = 	snop  }
0x108: {  	[tilespmem:s12], [sflag:$0x1] =	stream.indirect_vreg.gather [hbm4b:s6+s3], $0x80, v23, vm0, $0xb8;
	[tilespmem:$0x1C400] =	vst v63  }
0x109: {  	_ = 	snop  }
0x10a: {  	[tilespmem:s13], [sflag:$0x1] =	stream.indirect_vreg.gather [hbm4b:s8+s3], $0x80, v23, vm0, $0xb8;
	[tilespmem:$0x1C400] =	vst v63  }
0x10b: {  	v23 =	vld.msk [tilespmem:$0x130], $0xff;
	_ =	sdelay $0x4  }
0x10c: {  	v57 =	vshll.u32 v23, $0x3  }
0x10d: {  	v23 =	vand.u32 $0x7, v23;
	v24 =	vand.u32 $0xFFFFFFC0, v57  }
0x10e: {  	v23 =	vor.u32 v23, v24  }
0x10f: {  	v23 =	vperm.xlane v23, v15;
	_ =	sdelay $0x1  }
0x110: {  	v23 =	vadd.s32 v17, v23;
	_ =	sdelay $0x4  }
0x111: {  	[tilespmem:s14], [sflag:$0x1] =	stream.indirect_vreg.gather [hbm4b:s1+s3], $0x80, v23, vm0, $0xb8;
	[tilespmem:$0x1C400] =	vst v63  }
0x112: {  	_ = 	snop  }
0x113: {  	[tilespmem:s15], [sflag:$0x1] =	stream.indirect_vreg.gather [hbm4b:s5+s3], $0x80, v23, vm0, $0xb8;
	[tilespmem:$0x1C400] =	vst v63  }
0x114: {  	_ = 	snop  }
0x115: {  	[tilespmem:s16], [sflag:$0x1] =	stream.indirect_vreg.gather [hbm4b:s6+s3], $0x80, v23, vm0, $0xb8;
	[tilespmem:$0x1C400] =	vst v63  }
0x116: {  	_ = 	snop  }
0x117: {  	[tilespmem:s17], [sflag:$0x1] =	stream.indirect_vreg.gather [hbm4b:s8+s3], $0x80, v23, vm0, $0xb8;
	[tilespmem:$0x1C400] =	vst v63  }
0x118: {  	_ =	swait.ge [sflag:s4], $0xE000  }
0x119: {  	[sflag:s4] =	ssyncset.done $0x0  }
0x11a: {  	s2 =	simm.s32 $0x4;
	s9 =	rddreg [dreg:$0x4];
	[sflag:s4] =	ssyncadd.s32 $0xFFFF2000  }
0x11b: {  	[hbm4b:s9+s3] =	stream.linear.scatter [tilespmem:s26], [sflag:$0x3], $0xE000, $0x38;
	[tilespmem:$0x1C400] =	vst v63  }
0x11c: {  	_ =	swait.ge [sflag:s2], $0xE000  }
0x11d: {  	[sflag:s2] =	ssyncset.done $0x0  }
0x11e: {  	[sflag:s2] =	ssyncadd.s32 $0xFFFF2000  }
0x11f: {  	v23 =	vld [tilespmem:$0x180];
	_ =	sdelay $0x4  }
0x120: {  	v58 =	vshll.u32 v23, $0x3  }
0x121: {  	v23 =	vand.u32 $0x7, v23;
	v24 =	vand.u32 $0xFFFFFFC0, v58  }
0x122: {  	v23 =	vor.u32 v23, v24  }
0x123: {  	v24 =	vperm.xlane v23, v15;
	_ =	sdelay $0x1  }
0x124: {  	v24 =	vadd.s32 v17, v24;
	_ =	sdelay $0x4  }
0x125: {  	[tilespmem:s18], [sflag:$0x2] =	stream.indirect_vreg.gather [hbm4b:s1+s3], $0x80, v24, vm0, $0xb8;
	[tilespmem:$0x1C400] =	vst v63  }
0x126: {  	s31 =	simm.s32 $0xEC00;
	v23 =	vperm.xlane v23, v16  }
0x127: {  	[tilespmem:s31], [sflag:$0x2] =	stream.indirect_vreg.gather [hbm4b:s5+s3], $0x80, v24, vm0, $0xb8;
	[tilespmem:$0x1C400] =	vst v63  }
0x128: {  	v23 =	vadd.s32 v17, v23  }
0x129: {  	[tilespmem:s20], [sflag:$0x2] =	stream.indirect_vreg.gather [hbm4b:s6+s3], $0x80, v24, vm0, $0xb8;
	[tilespmem:$0x1C400] =	vst v63  }
0x12a: {  	_ = 	snop  }
0x12b: {  	[tilespmem:s21], [sflag:$0x2] =	stream.indirect_vreg.gather [hbm4b:s8+s3], $0x80, v24, vm0, $0xb8;
	[tilespmem:$0x1C400] =	vst v63  }
0x12c: {  	_ = 	snop  }
0x12d: {  	[tilespmem:s22], [sflag:$0x2] =	stream.indirect_vreg.gather [hbm4b:s1+s3], $0x80, v23, vm0, $0xb8;
	[tilespmem:$0x1C400] =	vst v63  }
0x12e: {  	_ = 	snop  }
0x12f: {  	[tilespmem:s23], [sflag:$0x2] =	stream.indirect_vreg.gather [hbm4b:s5+s3], $0x80, v23, vm0, $0xb8;
	[tilespmem:$0x1C400] =	vst v63  }
0x130: {  	_ = 	snop  }
0x131: {  	[tilespmem:s24], [sflag:$0x2] =	stream.indirect_vreg.gather [hbm4b:s6+s3], $0x80, v23, vm0, $0xb8;
	[tilespmem:$0x1C400] =	vst v63  }
0x132: {  	_ = 	snop  }
0x133: {  	[tilespmem:s30], [sflag:$0x2] =	stream.indirect_vreg.gather [hbm4b:s8+s3], $0x80, v23, vm0, $0xb8;
	[tilespmem:$0x1C400] =	vst v63  }
0x134: {  	v23 =	vld [tilespmem:$0x190];
	_ =	sdelay $0x4  }
0x135: {  	v59 =	vshll.u32 v23, $0x3  }
0x136: {  	v23 =	vand.u32 $0x7, v23;
	v24 =	vand.u32 $0xFFFFFFC0, v59  }
0x137: {  	v23 =	vor.u32 v23, v24  }
0x138: {  	v24 =	vperm.xlane v23, v15;
	_ =	sdelay $0x1  }
0x139: {  	v24 =	vadd.s32 v17, v24;
	_ =	sdelay $0x4  }
0x13a: {  	[tilespmem:s29], [sflag:$0x2] =	stream.indirect_vreg.gather [hbm4b:s1+s3], $0x80, v24, vm0, $0xb8;
	[tilespmem:$0x1C400] =	vst v63  }
0x13b: {  	s31 =	simm.s32 $0x12C00;
	v23 =	vperm.xlane v23, v16  }
0x13c: {  	[tilespmem:s31], [sflag:$0x2] =	stream.indirect_vreg.gather [hbm4b:s5+s3], $0x80, v24, vm0, $0xb8;
	[tilespmem:$0x1C400] =	vst v63  }
0x13d: {  	v23 =	vadd.s32 v17, v23;
	s31 =	simm.s32 $0x13400  }
0x13e: {  	[tilespmem:s31], [sflag:$0x2] =	stream.indirect_vreg.gather [hbm4b:s6+s3], $0x80, v24, vm0, $0xb8;
	[tilespmem:$0x1C400] =	vst v63  }
0x13f: {  	s31 =	simm.s32 $0x13C00  }
0x140: {  	[tilespmem:s31], [sflag:$0x2] =	stream.indirect_vreg.gather [hbm4b:s8+s3], $0x80, v24, vm0, $0xb8;
	[tilespmem:$0x1C400] =	vst v63  }
0x141: {  	s31 =	simm.s32 $0x14400  }
0x142: {  	[tilespmem:s31], [sflag:$0x2] =	stream.indirect_vreg.gather [hbm4b:s1+s3], $0x80, v23, vm0, $0xb8;
	[tilespmem:$0x1C400] =	vst v63  }
0x143: {  	s31 =	simm.s32 $0x14C00  }
0x144: {  	[tilespmem:s31], [sflag:$0x2] =	stream.indirect_vreg.gather [hbm4b:s5+s3], $0x80, v23, vm0, $0xb8;
	[tilespmem:$0x1C400] =	vst v63  }
0x145: {  	s31 =	simm.s32 $0x15400  }
0x146: {  	[tilespmem:s31], [sflag:$0x2] =	stream.indirect_vreg.gather [hbm4b:s6+s3], $0x80, v23, vm0, $0xb8;
	[tilespmem:$0x1C400] =	vst v63  }
0x147: {  	s31 =	simm.s32 $0x15C00  }
0x148: {  	[tilespmem:s31], [sflag:$0x2] =	stream.indirect_vreg.gather [hbm4b:s8+s3], $0x80, v23, vm0, $0xb8;
	[tilespmem:$0x1C400] =	vst v63  }
0x149: {  	v23 =	vld [tilespmem:$0x1A0];
	_ =	sdelay $0x4  }
0x14a: {  	v60 =	vshll.u32 v23, $0x3  }
0x14b: {  	v23 =	vand.u32 $0x7, v23;
	v24 =	vand.u32 $0xFFFFFFC0, v60  }
0x14c: {  	v23 =	vor.u32 v23, v24  }
0x14d: {  	v24 =	vperm.xlane v23, v15;
	_ =	sdelay $0x1  }
0x14e: {  	v24 =	vadd.s32 v17, v24;
	_ =	sdelay $0x3  }
0x14f: {  	s31 =	simm.s32 $0x16400  }
0x150: {  	[tilespmem:s31], [sflag:$0x2] =	stream.indirect_vreg.gather [hbm4b:s1+s3], $0x80, v24, vm0, $0xb8;
	[tilespmem:$0x1C400] =	vst v63  }
0x151: {  	v23 =	vperm.xlane v23, v16;
	s31 =	simm.s32 $0x16C00  }
0x152: {  	[tilespmem:s31], [sflag:$0x2] =	stream.indirect_vreg.gather [hbm4b:s5+s3], $0x80, v24, vm0, $0xb8;
	[tilespmem:$0x1C400] =	vst v63  }
0x153: {  	v23 =	vadd.s32 v17, v23;
	s31 =	simm.s32 $0x17400  }
0x154: {  	[tilespmem:s31], [sflag:$0x2] =	stream.indirect_vreg.gather [hbm4b:s6+s3], $0x80, v24, vm0, $0xb8;
	[tilespmem:$0x1C400] =	vst v63  }
0x155: {  	s31 =	simm.s32 $0x17C00  }
0x156: {  	[tilespmem:s31], [sflag:$0x2] =	stream.indirect_vreg.gather [hbm4b:s8+s3], $0x80, v24, vm0, $0xb8;
	[tilespmem:$0x1C400] =	vst v63  }
0x157: {  	s31 =	simm.s32 $0x18400  }
0x158: {  	[tilespmem:s31], [sflag:$0x2] =	stream.indirect_vreg.gather [hbm4b:s1+s3], $0x80, v23, vm0, $0xb8;
	[tilespmem:$0x1C400] =	vst v63  }
0x159: {  	s31 =	simm.s32 $0x18C00  }
0x15a: {  	[tilespmem:s31], [sflag:$0x2] =	stream.indirect_vreg.gather [hbm4b:s5+s3], $0x80, v23, vm0, $0xb8;
	[tilespmem:$0x1C400] =	vst v63  }
0x15b: {  	s31 =	simm.s32 $0x19400  }
0x15c: {  	[tilespmem:s31], [sflag:$0x2] =	stream.indirect_vreg.gather [hbm4b:s6+s3], $0x80, v23, vm0, $0xb8;
	[tilespmem:$0x1C400] =	vst v63  }
0x15d: {  	s31 =	simm.s32 $0x19C00  }
0x15e: {  	[tilespmem:s31], [sflag:$0x2] =	stream.indirect_vreg.gather [hbm4b:s8+s3], $0x80, v23, vm0, $0xb8;
	[tilespmem:$0x1C400] =	vst v63  }
0x15f: {  	v23 =	vld.msk [tilespmem:$0x1B0], $0xff;
	_ =	sdelay $0x4  }
0x160: {  	v61 =	vshll.u32 v23, $0x3  }
0x161: {  	v23 =	vand.u32 $0x7, v23;
	v24 =	vand.u32 $0xFFFFFFC0, v61  }
0x162: {  	v23 =	vor.u32 v23, v24  }
0x163: {  	v23 =	vperm.xlane v23, v15;
	_ =	sdelay $0x1  }
0x164: {  	v23 =	vadd.s32 v17, v23;
	_ =	sdelay $0x3  }
0x165: {  	s31 =	simm.s32 $0x1A400  }
0x166: {  	[tilespmem:s31], [sflag:$0x2] =	stream.indirect_vreg.gather [hbm4b:s1+s3], $0x80, v23, vm0, $0xb8;
	[tilespmem:$0x1C400] =	vst v63  }
0x167: {  	s31 =	simm.s32 $0x1AC00  }
0x168: {  	[tilespmem:s31], [sflag:$0x2] =	stream.indirect_vreg.gather [hbm4b:s5+s3], $0x80, v23, vm0, $0xb8;
	[tilespmem:$0x1C400] =	vst v63  }
0x169: {  	s31 =	simm.s32 $0x1B400  }
0x16a: {  	[tilespmem:s31], [sflag:$0x2] =	stream.indirect_vreg.gather [hbm4b:s6+s3], $0x80, v23, vm0, $0xb8;
	[tilespmem:$0x1C400] =	vst v63  }
0x16b: {  	s31 =	simm.s32 $0x1BC00  }
0x16c: {  	[tilespmem:s31], [sflag:$0x2] =	stream.indirect_vreg.gather [hbm4b:s8+s3], $0x80, v23, vm0, $0xb8;
	[tilespmem:$0x1C400] =	vst v63  }
0x16d: {  	_ =	swait.ge [sflag:s0], $0xE000  }
0x16e: {  	[sflag:s0] =	ssyncset.done $0x0  }
0x16f: {  	s9 =	rddreg [dreg:$0x5];
	[sflag:s0] =	ssyncadd.s32 $0xFFFF2000  }
0x170: {  	[hbm4b:s9+s3] =	stream.linear.scatter [tilespmem:s18], [sflag:$0x4], $0xE000, $0x38;
	[tilespmem:$0x1C400] =	vst v63  }
0x171: {  	_ =	swait.ge [sflag:s28], $0xE000  }
0x172: {  	[sflag:s28] =	ssyncset.done $0x0  }
0x173: {  	[sflag:s28] =	ssyncadd.s32 $0xFFFF2000  }
0x174: {  	v23 =	vld [tilespmem:$0x200];
	_ =	sdelay $0x4  }
0x175: {  	v62 =	vshll.u32 v23, $0x3  }
0x176: {  	v23 =	vand.u32 $0x7, v23;
	v24 =	vand.u32 $0xFFFFFFC0, v62  }
0x177: {  	v23 =	vor.u32 v23, v24  }
0x178: {  	v24 =	vperm.xlane v23, v15;
	_ =	sdelay $0x1  }
0x179: {  	v24 =	vadd.s32 v17, v24;
	_ =	sdelay $0x4  }
0x17a: {  	[tilespmem:s26], [sflag:$0x1] =	stream.indirect_vreg.gather [hbm4b:s1+s3], $0x80, v24, vm0, $0xb8;
	[tilespmem:$0x1C400] =	vst v63  }
0x17b: {  	s31 =	simm.s32 $0xC00;
	v23 =	vperm.xlane v23, v16  }
0x17c: {  	[tilespmem:s31], [sflag:$0x1] =	stream.indirect_vreg.gather [hbm4b:s5+s3], $0x80, v24, vm0, $0xb8;
	[tilespmem:$0x1C400] =	vst v63  }
0x17d: {  	s9 =	simm.s32 $0x1400;
	v23 =	vadd.s32 v17, v23  }
0x17e: {  	[tilespmem:s9], [sflag:$0x1] =	stream.indirect_vreg.gather [hbm4b:s6+s3], $0x80, v24, vm0, $0xb8;
	[tilespmem:$0x1C400] =	vst v63  }
0x17f: {  	s31 =	simm.s32 $0x1C00  }
0x180: {  	[tilespmem:s31], [sflag:$0x1] =	stream.indirect_vreg.gather [hbm4b:s8+s3], $0x80, v24, vm0, $0xb8;
	[tilespmem:$0x1C400] =	vst v63  }
0x181: {  	s9 =	simm.s32 $0x2400  }
0x182: {  	[tilespmem:s9], [sflag:$0x1] =	stream.indirect_vreg.gather [hbm4b:s1+s3], $0x80, v23, vm0, $0xb8;
	[tilespmem:$0x1C400] =	vst v63  }
0x183: {  	s31 =	simm.s32 $0x2C00  }
0x184: {  	[tilespmem:s31], [sflag:$0x1] =	stream.indirect_vreg.gather [hbm4b:s5+s3], $0x80, v23, vm0, $0xb8;
	[tilespmem:$0x1C400] =	vst v63  }
0x185: {  	s9 =	simm.s32 $0x3400  }
0x186: {  	[tilespmem:s9], [sflag:$0x1] =	stream.indirect_vreg.gather [hbm4b:s6+s3], $0x80, v23, vm0, $0xb8;
	[tilespmem:$0x1C400] =	vst v63  }
0x187: {  	s31 =	simm.s32 $0x3C00  }
0x188: {  	[tilespmem:s31], [sflag:$0x1] =	stream.indirect_vreg.gather [hbm4b:s8+s3], $0x80, v23, vm0, $0xb8;
	[tilespmem:$0x1C400] =	vst v63  }
0x189: {  	v23 =	vld [tilespmem:$0x210];
	_ =	sdelay $0x4  }
0x18a: {  	v63 =	vshll.u32 v23, $0x3  }
0x18b: {  	v23 =	vand.u32 $0x7, v23;
	v24 =	vand.u32 $0xFFFFFFC0, v63  }
0x18c: {  	v23 =	vor.u32 v23, v24  }
0x18d: {  	v24 =	vperm.xlane v23, v15;
	_ =	sdelay $0x1  }
0x18e: {  	v24 =	vadd.s32 v17, v24;
	_ =	sdelay $0x3  }
0x18f: {  	s9 =	simm.s32 $0x4400  }
0x190: {  	[tilespmem:s9], [sflag:$0x1] =	stream.indirect_vreg.gather [hbm4b:s1+s3], $0x80, v24, vm0, $0xb8;
	[tilespmem:$0x1C400] =	vst v63  }
0x191: {  	s31 =	simm.s32 $0x4C00;
	v23 =	vperm.xlane v23, v16  }
0x192: {  	[tilespmem:s31], [sflag:$0x1] =	stream.indirect_vreg.gather [hbm4b:s5+s3], $0x80, v24, vm0, $0xb8;
	[tilespmem:$0x1C400] =	vst v63  }
0x193: {  	v23 =	vadd.s32 v17, v23;
	s9 =	simm.s32 $0x5400  }
0x194: {  	[tilespmem:s9], [sflag:$0x1] =	stream.indirect_vreg.gather [hbm4b:s6+s3], $0x80, v24, vm0, $0xb8;
	[tilespmem:$0x1C400] =	vst v63  }
0x195: {  	s31 =	simm.s32 $0x5C00  }
0x196: {  	[tilespmem:s31], [sflag:$0x1] =	stream.indirect_vreg.gather [hbm4b:s8+s3], $0x80, v24, vm0, $0xb8;
	[tilespmem:$0x1C400] =	vst v63  }
0x197: {  	s9 =	simm.s32 $0x6400  }
0x198: {  	[tilespmem:s9], [sflag:$0x1] =	stream.indirect_vreg.gather [hbm4b:s1+s3], $0x80, v23, vm0, $0xb8;
	[tilespmem:$0x1C400] =	vst v63  }
0x199: {  	s31 =	simm.s32 $0x6C00  }
0x19a: {  	[tilespmem:s31], [sflag:$0x1] =	stream.indirect_vreg.gather [hbm4b:s5+s3], $0x80, v23, vm0, $0xb8;
	[tilespmem:$0x1C400] =	vst v63  }
0x19b: {  	s9 =	simm.s32 $0x7400  }
0x19c: {  	[tilespmem:s9], [sflag:$0x1] =	stream.indirect_vreg.gather [hbm4b:s6+s3], $0x80, v23, vm0, $0xb8;
	[tilespmem:$0x1C400] =	vst v63  }
0x19d: {  	s31 =	simm.s32 $0x7C00  }
0x19e: {  	[tilespmem:s31], [sflag:$0x1] =	stream.indirect_vreg.gather [hbm4b:s8+s3], $0x80, v23, vm0, $0xb8;
	[tilespmem:$0x1C400] =	vst v63  }
0x19f: {  	_ =	swait.ge [sflag:s4], $0x8000  }
0x1a0: {  	[sflag:s4] =	ssyncset.done $0x0  }
0x1a1: {  	s9 =	rddreg [dreg:$0x6];
	[sflag:s4] =	ssyncadd.s32 $0xFFFF8000  }
0x1a2: {  	[hbm4b:s9+s3] =	stream.linear.scatter [tilespmem:s26], [sflag:$0x3], $0x8000, $0x38;
	[tilespmem:$0x1C400] =	vst v63  }
0x1a3: {  	p0 =	sne.s32 s7, $0x1;
	_ =	swait.ge [sflag:s2], $0xE000  }
.Ltmp0:
0x1a4: {  	[sflag:s2] =	ssyncset.done $0x0;
	(pc) =	sbr.rel @p0 .LBB2_1-.Ltmp0, $4  }
0x1a5: {  	[sflag:s2] =	ssyncadd.s32 $0xFFFF2000  }
0x1a6: {  	_ =	swait.ge [sflag:s28], $0x8000  }
0x1a7: {  	[sflag:s28] =	ssyncset.done $0x0  }
0x1a8: {  	s7 =	sadd.s32 $0xFFFFFFFF, s7;
	[sflag:s28] =	ssyncadd.s32 $0xFFFF8000  }
0x1a9: {  	_ =	sfence.sel $0x180000  }
0x1aa: {  	[bflag:$0x0] =	sbarrier.arrive $0xFFFF  }
0x1ab: {  	_ =	strace $0x90000047  }
0x1ac: {  	s0 =	stileid.u32;
	[bflag:$0x2] =	sbarrier.arrive $0xFFFF  }
0x1ad: {  	p0 =	sne.s32 s0, $0x0;
	s0 =	rddreg [dreg:$0x2]  }
0x1ae: {  	s0 =	sadd.s32 @!p0 $0x100000, s0  }
0x1af: {  	[sflag:s0] =	ssyncadd.tile.s32 @!p0 $0x1;
	_ =	shalt  }
.Lfunc_end2:
_tile_overlayer_lowered:
.L_overlay_start_2:
0x1b0: {  	(tag) =	ssettag $0x2  }
0x1b1: {  	s0 =	rddreg [dreg:$0x0];
	s2 =	stileid.u32  }
0x1b2: {  	s1 =	rddreg [dreg:$0x1];
	p0 =	sne.s32 s2, $0x0  }
0x1b3: {  	s3 =	rddreg [dreg:$0x2];
	[bflag:$0x3] =	sbarrier.arrive $0xFFFF;
	s2 =	simm.s32 @!p0 $0x1C05  }
0x1b4: {  	[timem:s3], [sflag:s2] =	dma.local @!p0 [hbm:s0], s1  }
0x1b5: {  	s0 =	simm.s32 @!p0 $0x5  }
0x1b6: {  	_ =	swait.ge @!p0 [sflag:s0], s1  }
0x1b7: {  	s1 =	ssub.s32 @!p0 $0x0, s1;
	[sflag:s0] =	ssyncset.done @!p0 $0x0  }
0x1b8: {  	[sflag:s0] =	ssyncadd.s32 @!p0 s1  }
0x1b9: {  	[bflag:$0x3] =	sbarrier.arrive $0xFFFF  }
0x1ba: {  	_ =	shalt  }

</sc_bundles>
